<compile_context>
chip_gen: v7x
topology: tpu7x:2x2x1
jax: 0.10.2.dev20260603
libtpu: 0.0.44.dev20260713+nightly
codegen_flags: <defaults>
</compile_context>

<pallas_src>
import functools

import jax
import jax.numpy as jnp
from jax.experimental import pallas as pl
from jax.experimental.pallas import tpu as pltpu

TILE = 1024
LANES = 128


def _shifted_load(e_ref, c0, d):
    off = d % LANES
    base = d - off
    if off == 0:
        return e_ref[:, pl.ds(c0 + base, TILE)]
    wide = e_ref[:, pl.ds(c0 + base, TILE + LANES)]
    return jax.lax.slice_in_dim(wide, off, off + TILE, axis=1)


def _psum(ex):
    s = ex[:, 0:LANES]
    for i in range(1, TILE // LANES):
        s = s + ex[:, LANES * i:LANES * (i + 1)]
    return s


def _body(x_ref, wh_ref, wp0_ref, w0_ref, wp1_ref, w1_ref, out_ref,
          e_ref, proj0_ref, proj1_ref, acc_ref, stats_ref, *,
          vh, v0, v1, ht, t0t, t1t, s_steps, n_head_out, n_t0_out, trow):
    j = pl.program_id(1)
    e0base = ht * TILE
    e1base = e0base + t0t * TILE
    d0 = e0base - n_head_out
    d1 = e1base - (n_head_out + n_t0_out)
    b0 = n_head_out // TILE
    b1 = (n_head_out + n_t0_out) // TILE
    @pl.when(j == 0)
    def _init():
        acc_ref[...] = jnp.zeros_like(acc_ref)

    @pl.when(j < ht)
    def _head():
        logits = jnp.dot(x_ref[...], wh_ref[...],
                         preferred_element_type=jnp.float32)
        ex = jnp.exp(logits)
        e_ref[:, pl.ds(j * TILE, TILE)] = ex.astype(jnp.bfloat16)
        acc_ref[:, 0:LANES] += _psum(ex)

        @pl.when(j == ht - 1)
        def _gates():
            g = n_head_out - (ht - 1) * TILE
            col = jax.lax.broadcasted_iota(jnp.int32, (trow, TILE), 1)
            stats_ref[:, 3:4] = jnp.sum(
                jnp.where(col == g, ex, 0.0), axis=1, keepdims=True)
            stats_ref[:, 4:5] = jnp.sum(
                jnp.where(col == g + 1, ex, 0.0), axis=1, keepdims=True)

    @pl.when(j == ht)
    def _proj0():
        proj0_ref[...] = jnp.dot(
            x_ref[...], wp0_ref[...],
            preferred_element_type=jnp.float32).astype(jnp.bfloat16)

    @pl.when((j >= ht) & (j < ht + t0t))
    def _tail0():
        t = j - ht
        ex = jnp.exp(jnp.dot(proj0_ref[...], w0_ref[...],
                             preferred_element_type=jnp.float32))
        e_ref[:, pl.ds(e0base + t * TILE, TILE)] = ex.astype(jnp.bfloat16)
        acc_ref[:, LANES:2 * LANES] += _psum(ex)

    @pl.when(j == ht + t0t)
    def _proj1():
        proj1_ref[...] = jnp.dot(
            x_ref[...], wp1_ref[...],
            preferred_element_type=jnp.float32).astype(jnp.bfloat16)

    @pl.when((j >= ht + t0t) & (j < s_steps))
    def _tail1():
        t = j - ht - t0t
        ex = jnp.exp(jnp.dot(proj1_ref[...], w1_ref[...],
                             preferred_element_type=jnp.float32))
        e_ref[:, pl.ds(e1base + t * TILE, TILE)] = ex.astype(jnp.bfloat16)
        acc_ref[:, 2 * LANES:3 * LANES] += _psum(ex)

    @pl.when(j == s_steps)
    def _finalize():
        acc = acc_ref[...]
        zh = jnp.sum(acc[:, 0:LANES], axis=1, keepdims=True) - (
            ht * TILE - vh)
        z0 = jnp.sum(acc[:, LANES:2 * LANES], axis=1, keepdims=True) - (
            t0t * TILE - v0)
        z1 = jnp.sum(acc[:, 2 * LANES:3 * LANES], axis=1, keepdims=True) - (
            t1t * TILE - v1)
        stats_ref[:, 0:1] = 1.0 / zh
        stats_ref[:, 1:2] = stats_ref[:, 3:4] / (zh * z0)
        stats_ref[:, 2:3] = stats_ref[:, 4:5] / (zh * z1)

    k = j - s_steps
    c0 = k * TILE

    @pl.when((j >= s_steps) & (k < b0))
    def _norm_head():
        out_ref[...] = e_ref[:, pl.ds(c0, TILE)] * stats_ref[:, 0:1]

    @pl.when((k > b0) & (k < b1))
    def _norm_t0():
        out_ref[...] = _shifted_load(e_ref, c0, d0) * stats_ref[:, 1:2]

    @pl.when(k > b1)
    def _norm_t1():
        out_ref[...] = _shifted_load(e_ref, c0, d1) * stats_ref[:, 2:3]

    @pl.when((k == b0) | (k == b1))
    def _norm_boundary():
        col = jax.lax.broadcasted_iota(jnp.int32, (trow, TILE), 1) + c0
        head_e = e_ref[:, pl.ds(c0, TILE)] * stats_ref[:, 0:1]
        t0_e = _shifted_load(e_ref, c0, d0) * stats_ref[:, 1:2]
        t1_e = _shifted_load(e_ref, c0, d1) * stats_ref[:, 2:3]
        out_ref[...] = jnp.where(
            col < n_head_out, head_e,
            jnp.where(col < n_head_out + n_t0_out, t0_e, t1_e))


def kernel(inputs, head_weight_proj, head_weight, tail_weight_proj_0,
           tail_weight_0, tail_weight_proj_1, tail_weight_1):
    del head_weight_proj
    b, seq, hidden = inputs.shape
    x = inputs.reshape(b * seq, hidden)
    seq = b * seq
    vh = head_weight.shape[1]
    p0, v0 = tail_weight_0.shape
    p1, v1 = tail_weight_1.shape
    n_head_out = vh - 2
    n_t0_out = v0
    n_out = n_head_out + v0 + v1

    ht = pl.cdiv(vh, TILE)
    t0t = pl.cdiv(v0, TILE)
    t1t = pl.cdiv(v1, TILE)
    s_steps = ht + t0t + t1t
    ot = pl.cdiv(n_out, TILE)

    trow = 512 if seq % 512 == 0 else seq
    nt = seq // trow
    d0 = ht * TILE - n_head_out
    d1 = (ht + t0t) * TILE - (n_head_out + n_t0_out)
    ew = max(s_steps * TILE,
             (ot - 1) * TILE + (max(d0, d1, 0) // LANES) * LANES + TILE + LANES)

    def bpad(w, cols):
        return jnp.pad(w.astype(jnp.bfloat16), ((0, 0), (0, cols - w.shape[1])))

    body = functools.partial(
        _body, vh=vh, v0=v0, v1=v1, ht=ht, t0t=t0t, t1t=t1t,
        s_steps=s_steps, n_head_out=n_head_out, n_t0_out=n_t0_out, trow=trow)

    out = pl.pallas_call(
        body,
        grid=(nt, s_steps + ot),
        in_specs=[
            pl.BlockSpec((trow, hidden), lambda tb, j: (tb, 0)),
            pl.BlockSpec((hidden, TILE),
                         lambda tb, j: (0, jnp.minimum(j, ht - 1))),
            pl.BlockSpec((hidden, p0), lambda tb, j: (0, 0)),
            pl.BlockSpec((p0, TILE),
                         lambda tb, j: (0, jnp.clip(j - ht, 0, t0t - 1))),
            pl.BlockSpec((hidden, p1), lambda tb, j: (0, 0)),
            pl.BlockSpec((p1, TILE),
                         lambda tb, j: (0, jnp.clip(j - ht - t0t, 0, t1t - 1))),
        ],
        out_specs=pl.BlockSpec((trow, TILE),
                               lambda tb, j: (tb, jnp.maximum(j - s_steps, 0))),
        out_shape=jax.ShapeDtypeStruct((seq, n_out), jnp.float32),
        compiler_params=pltpu.CompilerParams(
            vmem_limit_bytes=63 * 1024 * 1024),
        scratch_shapes=[
            pltpu.VMEM((trow, ew), jnp.bfloat16),
            pltpu.VMEM((trow, p0), jnp.bfloat16),
            pltpu.VMEM((trow, p1), jnp.bfloat16),
            pltpu.VMEM((trow, 3 * LANES), jnp.float32),
            pltpu.VMEM((trow, 8), jnp.float32),
        ],
    )(x.astype(jnp.bfloat16), bpad(head_weight, ht * TILE),
      tail_weight_proj_0.astype(jnp.bfloat16), bpad(tail_weight_0, t0t * TILE),
      tail_weight_proj_1.astype(jnp.bfloat16), bpad(tail_weight_1, t1t * TILE))
    return out.reshape(b, seq // b, n_out)

# --- scband reference (transcript-rebuilt; emitter-appended) ---
"""Pipeline reference for scband-adaptive-embedding-7121055776930 (READ-ONLY COPY).

The authoritative reference and input builder live on the scoring server;
editing this copy changes nothing except your own understanding.
"""

import jax, jax.numpy as jnp
import numpy as np

HIDDEN = 1024
CUTOFFS = [20000, 30000, 40000]
NUM_TAILS = len(CUTOFFS) - 1
PROJECT_FACTOR = 4


def setup_inputs(seed: int = 0) -> dict:
    key = jax.random.key(seed)
    ks = jax.random.split(key, 8)
    inputs = jax.random.normal(ks[0], (1, 2048, HIDDEN), dtype=jnp.float32)
    head_weight_proj = jax.random.normal(ks[1], (HIDDEN, HIDDEN), dtype=jnp.float32) * 0.03
    head_weight = jax.random.normal(ks[2], (HIDDEN, CUTOFFS[0] + NUM_TAILS), dtype=jnp.float32) * 0.03
    p0 = max(1, HIDDEN // PROJECT_FACTOR)
    p1 = max(1, HIDDEN // (PROJECT_FACTOR * PROJECT_FACTOR))
    tail_weight_proj_0 = jax.random.normal(ks[3], (HIDDEN, p0), dtype=jnp.float32) * 0.03
    tail_weight_0 = jax.random.normal(ks[4], (p0, CUTOFFS[1] - CUTOFFS[0]), dtype=jnp.float32) * 0.06
    tail_weight_proj_1 = jax.random.normal(ks[5], (HIDDEN, p1), dtype=jnp.float32) * 0.03
    tail_weight_1 = jax.random.normal(ks[6], (p1, CUTOFFS[2] - CUTOFFS[1]), dtype=jnp.float32) * 0.12
    return {
        'inputs': inputs,
        'head_weight_proj': head_weight_proj,
        'head_weight': head_weight,
        'tail_weight_proj_0': tail_weight_proj_0,
        'tail_weight_0': tail_weight_0,
        'tail_weight_proj_1': tail_weight_proj_1,
        'tail_weight_1': tail_weight_1,
    }


def reference(inputs, head_weight_proj, head_weight, tail_weight_proj_0, tail_weight_0, tail_weight_proj_1, tail_weight_1):
    # mode='softmax' (default) path of AdaptiveEmbedding.call
    # head_weight_proj is a layer parameter but unused in softmax mode (kept for faithfulness)
    del head_weight_proj
    head_logits = jnp.einsum('bsh,hv->bsv', inputs, head_weight)
    head_softmax = jax.nn.softmax(head_logits, axis=-1)
    softmax_list = [head_softmax[:, :, :CUTOFFS[0]]]
    tails = [(tail_weight_proj_0, tail_weight_0), (tail_weight_proj_1, tail_weight_1)]
    for i, (wp, w) in enumerate(tails):
        proj = jnp.einsum('bsh,hp->bsp', inputs, wp)
        tail_logits = jnp.einsum('bsp,pv->bsv', proj, w)
        tail_softmax = jax.nn.softmax(tail_logits, axis=-1)
        index = CUTOFFS[0] + i
        softmax_list.append(tail_softmax * head_softmax[:, :, index:index + 1])
    softmax = jnp.concatenate(softmax_list, axis=-1)
    return softmax

if __name__ == "__main__":
    import jax
    _d = setup_inputs()
    print(jax.jit(kernel)(*tuple(_d.values())))

</pallas_src>

<mosaic_0001>
module attributes {stable_mosaic.version = 14 : i64} {
  func.func @_body(%arg0: i32, %arg1: i32, %arg2: memref<512x1024xbf16, #tpu.memory_space<vmem>>, %arg3: memref<1024x1024xbf16, #tpu.memory_space<vmem>>, %arg4: memref<1024x256xbf16, #tpu.memory_space<vmem>>, %arg5: memref<256x1024xbf16, #tpu.memory_space<vmem>>, %arg6: memref<1024x64xbf16, #tpu.memory_space<vmem>>, %arg7: memref<64x1024xbf16, #tpu.memory_space<vmem>>, %arg8: memref<512x1024xf32, #tpu.memory_space<vmem>>, %arg9: memref<512x41728xbf16, #tpu.memory_space<vmem>>, %arg10: memref<512x256xbf16, #tpu.memory_space<vmem>>, %arg11: memref<512x64xbf16, #tpu.memory_space<vmem>>, %arg12: memref<512x384xf32, #tpu.memory_space<vmem>>, %arg13: memref<512x8xf32, #tpu.memory_space<vmem>>) attributes {dimension_semantics = [#tpu.dimension_semantics<arbitrary>, #tpu.dimension_semantics<arbitrary>], iteration_bounds = array<i64: 4, 80>, scalar_prefetch = 0 : i64, scratch_operands = 5 : i64, tpu.core_type = #tpu.core_type<tc>, window_params = [{transform_indices = @transform_0, window_bounds = array<i64: 512, 1024>}, {transform_indices = @transform_1, window_bounds = array<i64: 1024, 1024>}, {pipeline_mode = #tpu.pipeline_mode<synchronous>, transform_indices = @transform_2, window_bounds = array<i64: 1024, 256>}, {transform_indices = @transform_3, window_bounds = array<i64: 256, 1024>}, {pipeline_mode = #tpu.pipeline_mode<synchronous>, transform_indices = @transform_4, window_bounds = array<i64: 1024, 64>}, {transform_indices = @transform_5, window_bounds = array<i64: 64, 1024>}, {transform_indices = @transform_6, window_bounds = array<i64: 512, 1024>}]} {
    %eq3A = arith.constant 0 : i32
    %eq3A_0 = arith.cmpi eq, %arg1, %eq3A : i32
    %convert_element_type3A = arith.extui %eq3A_0 : i1 to i32
    %cond3A = arith.constant 0 : i32
    %cond3A_1 = arith.cmpi ne, %convert_element_type3A, %cond3A : i32
    scf.if %cond3A_1 {
      %broadcast_in_dim3A = arith.constant 0.000000e+00 : f32
      %broadcast_in_dim3A_64 = vector.broadcast %broadcast_in_dim3A : f32 to vector<512x384xf32>
      %swap3A = arith.constant 0 : index
      %swap3A_65 = arith.constant 0 : index
      %swap3A_66 = vector.load %arg12[%swap3A, %swap3A_65] : memref<512x384xf32, #tpu.memory_space<vmem>>, vector<512x384xf32>
      tpu.vector_store %arg12[%swap3A, %swap3A_65], %broadcast_in_dim3A_64 {strides = array<i32>} : memref<512x384xf32, #tpu.memory_space<vmem>>, vector<512x384xf32>,
    } else {
    }
    %lt3A = arith.constant 20 : i32
    %lt3A_2 = arith.cmpi slt, %arg1, %lt3A : i32
    %convert_element_type3A_3 = arith.extui %lt3A_2 : i1 to i32
    %cond3A_4 = arith.constant 0 : i32
    %cond3A_5 = arith.cmpi ne, %convert_element_type3A_3, %cond3A_4 : i32
    scf.if %cond3A_5 {
      %get3A = arith.constant 0 : index
      %get3A_64 = arith.constant 0 : index
      %get3A_65 = vector.load %arg2[%get3A, %get3A_64] : memref<512x1024xbf16, #tpu.memory_space<vmem>>, vector<512x1024xbf16>
      %get3A_66 = arith.constant 0 : index
      %get3A_67 = arith.constant 0 : index
      %get3A_68 = vector.load %arg3[%get3A_66, %get3A_67] : memref<1024x1024xbf16, #tpu.memory_space<vmem>>, vector<1024x1024xbf16>
      %dot_general3A = arith.constant dense<0.000000e+00> : vector<512x1024xf32>
      %dot_general3A_69 = tpu.matmul %get3A_65, %get3A_68, %dot_general3A {dimension_numbers = #tpu.dot_dimension_numbers<[1], [0], [0], [1], [0, 0, 1, 1], [], []>, transpose_lhs_hint = false} : vector<512x1024xbf16>, vector<1024x1024xbf16>, vector<512x1024xf32> -> vector<512x1024xf32>
      %exp3A = math.exp %dot_general3A_69 : vector<512x1024xf32>
      %convert_element_type3A_70 = arith.truncf %exp3A : vector<512x1024xf32> to vector<512x1024xbf16>
      %mul3A_71 = arith.constant 1024 : i32
      %mul3A_72 = arith.muli %arg1, %mul3A_71 : i32
      %swap3A = arith.constant 0 : index
      %swap3A_73 = arith.index_cast %mul3A_72 : i32 to index
      %swap3A_74 = vector.load %arg9[%swap3A, %swap3A_73] : memref<512x41728xbf16, #tpu.memory_space<vmem>>, vector<512x1024xbf16>
      tpu.vector_store %arg9[%swap3A, %swap3A_73], %convert_element_type3A_70 {strides = array<i32>} : memref<512x41728xbf16, #tpu.memory_space<vmem>>, vector<512x1024xbf16>,
      %get3A_75 = arith.constant 0 : index
      %get3A_76 = arith.constant 0 : index
      %get3A_77 = vector.load %arg12[%get3A_75, %get3A_76] : memref<512x384xf32, #tpu.memory_space<vmem>>, vector<512x128xf32>
      %slice3A = vector.extract_strided_slice %exp3A {offsets = [0, 0], sizes = [512, 128], strides = [1, 1]} : vector<512x1024xf32> to vector<512x128xf32>
      %slice3A_78 = vector.extract_strided_slice %exp3A {offsets = [0, 128], sizes = [512, 128], strides = [1, 1]} : vector<512x1024xf32> to vector<512x128xf32>
      %add3A = arith.addf %slice3A, %slice3A_78 : vector<512x128xf32>
      %slice3A_79 = vector.extract_strided_slice %exp3A {offsets = [0, 256], sizes = [512, 128], strides = [1, 1]} : vector<512x1024xf32> to vector<512x128xf32>
      %add3A_80 = arith.addf %add3A, %slice3A_79 : vector<512x128xf32>
      %slice3A_81 = vector.extract_strided_slice %exp3A {offsets = [0, 384], sizes = [512, 128], strides = [1, 1]} : vector<512x1024xf32> to vector<512x128xf32>
      %add3A_82 = arith.addf %add3A_80, %slice3A_81 : vector<512x128xf32>
      %slice3A_83 = vector.extract_strided_slice %exp3A {offsets = [0, 512], sizes = [512, 128], strides = [1, 1]} : vector<512x1024xf32> to vector<512x128xf32>
      %add3A_84 = arith.addf %add3A_82, %slice3A_83 : vector<512x128xf32>
      %slice3A_85 = vector.extract_strided_slice %exp3A {offsets = [0, 640], sizes = [512, 128], strides = [1, 1]} : vector<512x1024xf32> to vector<512x128xf32>
      %add3A_86 = arith.addf %add3A_84, %slice3A_85 : vector<512x128xf32>
      %slice3A_87 = vector.extract_strided_slice %exp3A {offsets = [0, 768], sizes = [512, 128], strides = [1, 1]} : vector<512x1024xf32> to vector<512x128xf32>
      %add3A_88 = arith.addf %add3A_86, %slice3A_87 : vector<512x128xf32>
      %slice3A_89 = vector.extract_strided_slice %exp3A {offsets = [0, 896], sizes = [512, 128], strides = [1, 1]} : vector<512x1024xf32> to vector<512x128xf32>
      %add3A_90 = arith.addf %add3A_88, %slice3A_89 : vector<512x128xf32>
      %add3A_91 = arith.addf %get3A_77, %add3A_90 : vector<512x128xf32>
      %swap3A_92 = arith.constant 0 : index
      %swap3A_93 = arith.constant 0 : index
      %swap3A_94 = vector.load %arg12[%swap3A_92, %swap3A_93] : memref<512x384xf32, #tpu.memory_space<vmem>>, vector<512x128xf32>
      tpu.vector_store %arg12[%swap3A_92, %swap3A_93], %add3A_91 {strides = array<i32>} : memref<512x384xf32, #tpu.memory_space<vmem>>, vector<512x128xf32>,
      %eq3A_95 = arith.constant 19 : i32
      %eq3A_96 = arith.cmpi eq, %arg1, %eq3A_95 : i32
      %convert_element_type3A_97 = arith.extui %eq3A_96 : i1 to i32
      %cond3A_98 = arith.constant 0 : i32
      %cond3A_99 = arith.cmpi ne, %convert_element_type3A_97, %cond3A_98 : i32
      scf.if %cond3A_99 {
        %iota3A = tpu.iota {dimensions = array<i32: 1>} : vector<512x1024xi32>
        %eq3A_100 = arith.constant 544 : i32
        %eq3A_101 = vector.broadcast %eq3A_100 : i32 to vector<512x1024xi32>
        %eq3A_102 = arith.cmpi eq, %iota3A, %eq3A_101 : vector<512x1024xi32>
        %jit3A = arith.constant 0.000000e+00 : f32
        %broadcast_in_dim3A = vector.broadcast %jit3A : f32 to vector<512x1024xf32>
        %select_n3A = arith.select %eq3A_102, %exp3A, %broadcast_in_dim3A : vector<512x1024xi1>, vector<512x1024xf32>
        %reduce_sum3A = arith.constant dense<0.000000e+00> : vector<512xf32>
        %reduce_sum3A_103 = vector.multi_reduction <add>, %select_n3A, %reduce_sum3A [1] : vector<512x1024xf32> to vector<512xf32>
        %broadcast_in_dim3A_104 = vector.shape_cast %reduce_sum3A_103 : vector<512xf32> to vector<512x1xf32>
        %swap3A_105 = arith.constant 0 : index
        %swap3A_106 = arith.constant 3 : index
        %swap3A_107 = vector.load %arg13[%swap3A_105, %swap3A_106] : memref<512x8xf32, #tpu.memory_space<vmem>>, vector<512x1xf32>
        tpu.vector_store %arg13[%swap3A_105, %swap3A_106], %broadcast_in_dim3A_104 {strides = array<i32>} : memref<512x8xf32, #tpu.memory_space<vmem>>, vector<512x1xf32>,
        %eq3A_108 = arith.constant 545 : i32
        %eq3A_109 = vector.broadcast %eq3A_108 : i32 to vector<512x1024xi32>
        %eq3A_110 = arith.cmpi eq, %iota3A, %eq3A_109 : vector<512x1024xi32>
        %jit3A_111 = arith.constant 0.000000e+00 : f32
        %broadcast_in_dim3A_112 = vector.broadcast %jit3A_111 : f32 to vector<512x1024xf32>
        %select_n3A_113 = arith.select %eq3A_110, %exp3A, %broadcast_in_dim3A_112 : vector<512x1024xi1>, vector<512x1024xf32>
        %reduce_sum3A_114 = arith.constant dense<0.000000e+00> : vector<512xf32>
        %reduce_sum3A_115 = vector.multi_reduction <add>, %select_n3A_113, %reduce_sum3A_114 [1] : vector<512x1024xf32> to vector<512xf32>
        %broadcast_in_dim3A_116 = vector.shape_cast %reduce_sum3A_115 : vector<512xf32> to vector<512x1xf32>
        %swap3A_117 = arith.constant 0 : index
        %swap3A_118 = arith.constant 4 : index
        %swap3A_119 = vector.load %arg13[%swap3A_117, %swap3A_118] : memref<512x8xf32, #tpu.memory_space<vmem>>, vector<512x1xf32>
        tpu.vector_store %arg13[%swap3A_117, %swap3A_118], %broadcast_in_dim3A_116 {strides = array<i32>} : memref<512x8xf32, #tpu.memory_space<vmem>>, vector<512x1xf32>,
      } else {
      }
    } else {
    }
    %eq3A_6 = arith.constant 20 : i32
    %eq3A_7 = arith.cmpi eq, %arg1, %eq3A_6 : i32
    %convert_element_type3A_8 = arith.extui %eq3A_7 : i1 to i32
    %cond3A_9 = arith.constant 0 : i32
    %cond3A_10 = arith.cmpi ne, %convert_element_type3A_8, %cond3A_9 : i32
    scf.if %cond3A_10 {
      %get3A = arith.constant 0 : index
      %get3A_64 = arith.constant 0 : index
      %get3A_65 = vector.load %arg2[%get3A, %get3A_64] : memref<512x1024xbf16, #tpu.memory_space<vmem>>, vector<512x1024xbf16>
      %get3A_66 = arith.constant 0 : index
      %get3A_67 = arith.constant 0 : index
      %get3A_68 = vector.load %arg4[%get3A_66, %get3A_67] : memref<1024x256xbf16, #tpu.memory_space<vmem>>, vector<1024x256xbf16>
      %dot_general3A = arith.constant dense<0.000000e+00> : vector<512x256xf32>
      %dot_general3A_69 = tpu.matmul %get3A_65, %get3A_68, %dot_general3A {dimension_numbers = #tpu.dot_dimension_numbers<[1], [0], [0], [1], [0, 0, 1, 1], [], []>, transpose_lhs_hint = false} : vector<512x1024xbf16>, vector<1024x256xbf16>, vector<512x256xf32> -> vector<512x256xf32>
      %convert_element_type3A_70 = arith.truncf %dot_general3A_69 : vector<512x256xf32> to vector<512x256xbf16>
      %swap3A = arith.constant 0 : index
      %swap3A_71 = arith.constant 0 : index
      %swap3A_72 = vector.load %arg10[%swap3A, %swap3A_71] : memref<512x256xbf16, #tpu.memory_space<vmem>>, vector<512x256xbf16>
      tpu.vector_store %arg10[%swap3A, %swap3A_71], %convert_element_type3A_70 {strides = array<i32>} : memref<512x256xbf16, #tpu.memory_space<vmem>>, vector<512x256xbf16>,
    } else {
    }
    %ge3A = arith.constant 20 : i32
    %ge3A_11 = arith.cmpi sge, %arg1, %ge3A : i32
    %lt3A_12 = arith.constant 30 : i32
    %lt3A_13 = arith.cmpi slt, %arg1, %lt3A_12 : i32
    %and3A = arith.andi %ge3A_11, %lt3A_13 : i1
    %convert_element_type3A_14 = arith.extui %and3A : i1 to i32
    %cond3A_15 = arith.constant 0 : i32
    %cond3A_16 = arith.cmpi ne, %convert_element_type3A_14, %cond3A_15 : i32
    scf.if %cond3A_16 {
      %sub3A_64 = arith.constant 20 : i32
      %sub3A_65 = arith.subi %arg1, %sub3A_64 : i32
      %get3A = arith.constant 0 : index
      %get3A_66 = arith.constant 0 : index
      %get3A_67 = vector.load %arg10[%get3A, %get3A_66] : memref<512x256xbf16, #tpu.memory_space<vmem>>, vector<512x256xbf16>
      %get3A_68 = arith.constant 0 : index
      %get3A_69 = arith.constant 0 : index
      %get3A_70 = vector.load %arg5[%get3A_68, %get3A_69] : memref<256x1024xbf16, #tpu.memory_space<vmem>>, vector<256x1024xbf16>
      %dot_general3A = arith.constant dense<0.000000e+00> : vector<512x1024xf32>
      %dot_general3A_71 = tpu.matmul %get3A_67, %get3A_70, %dot_general3A {dimension_numbers = #tpu.dot_dimension_numbers<[1], [0], [0], [1], [0, 0, 1, 1], [], []>, transpose_lhs_hint = false} : vector<512x256xbf16>, vector<256x1024xbf16>, vector<512x1024xf32> -> vector<512x1024xf32>
      %exp3A = math.exp %dot_general3A_71 : vector<512x1024xf32>
      %convert_element_type3A_72 = arith.truncf %exp3A : vector<512x1024xf32> to vector<512x1024xbf16>
      %mul3A_73 = arith.constant 1024 : i32
      %mul3A_74 = arith.muli %sub3A_65, %mul3A_73 : i32
      %add3A = arith.constant 20480 : i32
      %add3A_75 = arith.addi %add3A, %mul3A_74 : i32
      %swap3A = arith.constant 0 : index
      %swap3A_76 = arith.index_cast %add3A_75 : i32 to index
      %swap3A_77 = vector.load %arg9[%swap3A, %swap3A_76] : memref<512x41728xbf16, #tpu.memory_space<vmem>>, vector<512x1024xbf16>
      tpu.vector_store %arg9[%swap3A, %swap3A_76], %convert_element_type3A_72 {strides = array<i32>} : memref<512x41728xbf16, #tpu.memory_space<vmem>>, vector<512x1024xbf16>,
      %get3A_78 = arith.constant 0 : index
      %get3A_79 = arith.constant 128 : index
      %get3A_80 = vector.load %arg12[%get3A_78, %get3A_79] : memref<512x384xf32, #tpu.memory_space<vmem>>, vector<512x128xf32>
      %slice3A = vector.extract_strided_slice %exp3A {offsets = [0, 0], sizes = [512, 128], strides = [1, 1]} : vector<512x1024xf32> to vector<512x128xf32>
      %slice3A_81 = vector.extract_strided_slice %exp3A {offsets = [0, 128], sizes = [512, 128], strides = [1, 1]} : vector<512x1024xf32> to vector<512x128xf32>
      %add3A_82 = arith.addf %slice3A, %slice3A_81 : vector<512x128xf32>
      %slice3A_83 = vector.extract_strided_slice %exp3A {offsets = [0, 256], sizes = [512, 128], strides = [1, 1]} : vector<512x1024xf32> to vector<512x128xf32>
      %add3A_84 = arith.addf %add3A_82, %slice3A_83 : vector<512x128xf32>
      %slice3A_85 = vector.extract_strided_slice %exp3A {offsets = [0, 384], sizes = [512, 128], strides = [1, 1]} : vector<512x1024xf32> to vector<512x128xf32>
      %add3A_86 = arith.addf %add3A_84, %slice3A_85 : vector<512x128xf32>
      %slice3A_87 = vector.extract_strided_slice %exp3A {offsets = [0, 512], sizes = [512, 128], strides = [1, 1]} : vector<512x1024xf32> to vector<512x128xf32>
      %add3A_88 = arith.addf %add3A_86, %slice3A_87 : vector<512x128xf32>
      %slice3A_89 = vector.extract_strided_slice %exp3A {offsets = [0, 640], sizes = [512, 128], strides = [1, 1]} : vector<512x1024xf32> to vector<512x128xf32>
      %add3A_90 = arith.addf %add3A_88, %slice3A_89 : vector<512x128xf32>
      %slice3A_91 = vector.extract_strided_slice %exp3A {offsets = [0, 768], sizes = [512, 128], strides = [1, 1]} : vector<512x1024xf32> to vector<512x128xf32>
      %add3A_92 = arith.addf %add3A_90, %slice3A_91 : vector<512x128xf32>
      %slice3A_93 = vector.extract_strided_slice %exp3A {offsets = [0, 896], sizes = [512, 128], strides = [1, 1]} : vector<512x1024xf32> to vector<512x128xf32>
      %add3A_94 = arith.addf %add3A_92, %slice3A_93 : vector<512x128xf32>
      %add3A_95 = arith.addf %get3A_80, %add3A_94 : vector<512x128xf32>
      %swap3A_96 = arith.constant 0 : index
      %swap3A_97 = arith.constant 128 : index
      %swap3A_98 = vector.load %arg12[%swap3A_96, %swap3A_97] : memref<512x384xf32, #tpu.memory_space<vmem>>, vector<512x128xf32>
      tpu.vector_store %arg12[%swap3A_96, %swap3A_97], %add3A_95 {strides = array<i32>} : memref<512x384xf32, #tpu.memory_space<vmem>>, vector<512x128xf32>,
    } else {
    }
    %eq3A_17 = arith.constant 30 : i32
    %eq3A_18 = arith.cmpi eq, %arg1, %eq3A_17 : i32
    %convert_element_type3A_19 = arith.extui %eq3A_18 : i1 to i32
    %cond3A_20 = arith.constant 0 : i32
    %cond3A_21 = arith.cmpi ne, %convert_element_type3A_19, %cond3A_20 : i32
    scf.if %cond3A_21 {
      %get3A = arith.constant 0 : index
      %get3A_64 = arith.constant 0 : index
      %get3A_65 = vector.load %arg2[%get3A, %get3A_64] : memref<512x1024xbf16, #tpu.memory_space<vmem>>, vector<512x1024xbf16>
      %get3A_66 = arith.constant 0 : index
      %get3A_67 = arith.constant 0 : index
      %get3A_68 = vector.load %arg6[%get3A_66, %get3A_67] : memref<1024x64xbf16, #tpu.memory_space<vmem>>, vector<1024x64xbf16>
      %dot_general3A = arith.constant dense<0.000000e+00> : vector<512x64xf32>
      %dot_general3A_69 = tpu.matmul %get3A_65, %get3A_68, %dot_general3A {dimension_numbers = #tpu.dot_dimension_numbers<[1], [0], [0], [1], [0, 0, 1, 1], [], []>, transpose_lhs_hint = false} : vector<512x1024xbf16>, vector<1024x64xbf16>, vector<512x64xf32> -> vector<512x64xf32>
      %convert_element_type3A_70 = arith.truncf %dot_general3A_69 : vector<512x64xf32> to vector<512x64xbf16>
      %swap3A = arith.constant 0 : index
      %swap3A_71 = arith.constant 0 : index
      %swap3A_72 = vector.load %arg11[%swap3A, %swap3A_71] : memref<512x64xbf16, #tpu.memory_space<vmem>>, vector<512x64xbf16>
      tpu.vector_store %arg11[%swap3A, %swap3A_71], %convert_element_type3A_70 {strides = array<i32>} : memref<512x64xbf16, #tpu.memory_space<vmem>>, vector<512x64xbf16>,
    } else {
    }
    %ge3A_22 = arith.constant 30 : i32
    %ge3A_23 = arith.cmpi sge, %arg1, %ge3A_22 : i32
    %lt3A_24 = arith.constant 40 : i32
    %lt3A_25 = arith.cmpi slt, %arg1, %lt3A_24 : i32
    %and3A_26 = arith.andi %ge3A_23, %lt3A_25 : i1
    %convert_element_type3A_27 = arith.extui %and3A_26 : i1 to i32
    %cond3A_28 = arith.constant 0 : i32
    %cond3A_29 = arith.cmpi ne, %convert_element_type3A_27, %cond3A_28 : i32
    scf.if %cond3A_29 {
      %sub3A_64 = arith.constant 20 : i32
      %sub3A_65 = arith.subi %arg1, %sub3A_64 : i32
      %sub3A_66 = arith.constant 10 : i32
      %sub3A_67 = arith.subi %sub3A_65, %sub3A_66 : i32
      %get3A = arith.constant 0 : index
      %get3A_68 = arith.constant 0 : index
      %get3A_69 = vector.load %arg11[%get3A, %get3A_68] : memref<512x64xbf16, #tpu.memory_space<vmem>>, vector<512x64xbf16>
      %get3A_70 = arith.constant 0 : index
      %get3A_71 = arith.constant 0 : index
      %get3A_72 = vector.load %arg7[%get3A_70, %get3A_71] : memref<64x1024xbf16, #tpu.memory_space<vmem>>, vector<64x1024xbf16>
      %dot_general3A = arith.constant dense<0.000000e+00> : vector<512x1024xf32>
      %dot_general3A_73 = tpu.matmul %get3A_69, %get3A_72, %dot_general3A {dimension_numbers = #tpu.dot_dimension_numbers<[1], [0], [0], [1], [0, 0, 1, 1], [], []>, transpose_lhs_hint = false} : vector<512x64xbf16>, vector<64x1024xbf16>, vector<512x1024xf32> -> vector<512x1024xf32>
      %exp3A = math.exp %dot_general3A_73 : vector<512x1024xf32>
      %convert_element_type3A_74 = arith.truncf %exp3A : vector<512x1024xf32> to vector<512x1024xbf16>
      %mul3A_75 = arith.constant 1024 : i32
      %mul3A_76 = arith.muli %sub3A_67, %mul3A_75 : i32
      %add3A = arith.constant 30720 : i32
      %add3A_77 = arith.addi %add3A, %mul3A_76 : i32
      %swap3A = arith.constant 0 : index
      %swap3A_78 = arith.index_cast %add3A_77 : i32 to index
      %swap3A_79 = vector.load %arg9[%swap3A, %swap3A_78] : memref<512x41728xbf16, #tpu.memory_space<vmem>>, vector<512x1024xbf16>
      tpu.vector_store %arg9[%swap3A, %swap3A_78], %convert_element_type3A_74 {strides = array<i32>} : memref<512x41728xbf16, #tpu.memory_space<vmem>>, vector<512x1024xbf16>,
      %get3A_80 = arith.constant 0 : index
      %get3A_81 = arith.constant 256 : index
      %get3A_82 = vector.load %arg12[%get3A_80, %get3A_81] : memref<512x384xf32, #tpu.memory_space<vmem>>, vector<512x128xf32>
      %slice3A = vector.extract_strided_slice %exp3A {offsets = [0, 0], sizes = [512, 128], strides = [1, 1]} : vector<512x1024xf32> to vector<512x128xf32>
      %slice3A_83 = vector.extract_strided_slice %exp3A {offsets = [0, 128], sizes = [512, 128], strides = [1, 1]} : vector<512x1024xf32> to vector<512x128xf32>
      %add3A_84 = arith.addf %slice3A, %slice3A_83 : vector<512x128xf32>
      %slice3A_85 = vector.extract_strided_slice %exp3A {offsets = [0, 256], sizes = [512, 128], strides = [1, 1]} : vector<512x1024xf32> to vector<512x128xf32>
      %add3A_86 = arith.addf %add3A_84, %slice3A_85 : vector<512x128xf32>
      %slice3A_87 = vector.extract_strided_slice %exp3A {offsets = [0, 384], sizes = [512, 128], strides = [1, 1]} : vector<512x1024xf32> to vector<512x128xf32>
      %add3A_88 = arith.addf %add3A_86, %slice3A_87 : vector<512x128xf32>
      %slice3A_89 = vector.extract_strided_slice %exp3A {offsets = [0, 512], sizes = [512, 128], strides = [1, 1]} : vector<512x1024xf32> to vector<512x128xf32>
      %add3A_90 = arith.addf %add3A_88, %slice3A_89 : vector<512x128xf32>
      %slice3A_91 = vector.extract_strided_slice %exp3A {offsets = [0, 640], sizes = [512, 128], strides = [1, 1]} : vector<512x1024xf32> to vector<512x128xf32>
      %add3A_92 = arith.addf %add3A_90, %slice3A_91 : vector<512x128xf32>
      %slice3A_93 = vector.extract_strided_slice %exp3A {offsets = [0, 768], sizes = [512, 128], strides = [1, 1]} : vector<512x1024xf32> to vector<512x128xf32>
      %add3A_94 = arith.addf %add3A_92, %slice3A_93 : vector<512x128xf32>
      %slice3A_95 = vector.extract_strided_slice %exp3A {offsets = [0, 896], sizes = [512, 128], strides = [1, 1]} : vector<512x1024xf32> to vector<512x128xf32>
      %add3A_96 = arith.addf %add3A_94, %slice3A_95 : vector<512x128xf32>
      %add3A_97 = arith.addf %get3A_82, %add3A_96 : vector<512x128xf32>
      %swap3A_98 = arith.constant 0 : index
      %swap3A_99 = arith.constant 256 : index
      %swap3A_100 = vector.load %arg12[%swap3A_98, %swap3A_99] : memref<512x384xf32, #tpu.memory_space<vmem>>, vector<512x128xf32>
      tpu.vector_store %arg12[%swap3A_98, %swap3A_99], %add3A_97 {strides = array<i32>} : memref<512x384xf32, #tpu.memory_space<vmem>>, vector<512x128xf32>,
    } else {
    }
    %eq3A_30 = arith.constant 40 : i32
    %eq3A_31 = arith.cmpi eq, %arg1, %eq3A_30 : i32
    %convert_element_type3A_32 = arith.extui %eq3A_31 : i1 to i32
    %cond3A_33 = arith.constant 0 : i32
    %cond3A_34 = arith.cmpi ne, %convert_element_type3A_32, %cond3A_33 : i32
    scf.if %cond3A_34 {
      %get3A = arith.constant 0 : index
      %get3A_64 = arith.constant 0 : index
      %get3A_65 = vector.load %arg12[%get3A, %get3A_64] : memref<512x384xf32, #tpu.memory_space<vmem>>, vector<512x384xf32>
      %slice3A = vector.extract_strided_slice %get3A_65 {offsets = [0, 0], sizes = [512, 128], strides = [1, 1]} : vector<512x384xf32> to vector<512x128xf32>
      %reduce_sum3A = arith.constant dense<0.000000e+00> : vector<512xf32>
      %reduce_sum3A_66 = vector.multi_reduction <add>, %slice3A, %reduce_sum3A [1] : vector<512x128xf32> to vector<512xf32>
      %broadcast_in_dim3A = vector.shape_cast %reduce_sum3A_66 : vector<512xf32> to vector<512x1xf32>
      %sub3A_67 = arith.constant 4.780000e+02 : f32
      %sub3A_68 = vector.broadcast %sub3A_67 : f32 to vector<512x1xf32>
      %sub3A_69 = arith.subf %broadcast_in_dim3A, %sub3A_68 : vector<512x1xf32>
      %slice3A_70 = vector.extract_strided_slice %get3A_65 {offsets = [0, 128], sizes = [512, 128], strides = [1, 1]} : vector<512x384xf32> to vector<512x128xf32>
      %reduce_sum3A_71 = arith.constant dense<0.000000e+00> : vector<512xf32>
      %reduce_sum3A_72 = vector.multi_reduction <add>, %slice3A_70, %reduce_sum3A_71 [1] : vector<512x128xf32> to vector<512xf32>
      %broadcast_in_dim3A_73 = vector.shape_cast %reduce_sum3A_72 : vector<512xf32> to vector<512x1xf32>
      %sub3A_74 = arith.constant 2.400000e+02 : f32
      %sub3A_75 = vector.broadcast %sub3A_74 : f32 to vector<512x1xf32>
      %sub3A_76 = arith.subf %broadcast_in_dim3A_73, %sub3A_75 : vector<512x1xf32>
      %slice3A_77 = vector.extract_strided_slice %get3A_65 {offsets = [0, 256], sizes = [512, 128], strides = [1, 1]} : vector<512x384xf32> to vector<512x128xf32>
      %reduce_sum3A_78 = arith.constant dense<0.000000e+00> : vector<512xf32>
      %reduce_sum3A_79 = vector.multi_reduction <add>, %slice3A_77, %reduce_sum3A_78 [1] : vector<512x128xf32> to vector<512xf32>
      %broadcast_in_dim3A_80 = vector.shape_cast %reduce_sum3A_79 : vector<512xf32> to vector<512x1xf32>
      %sub3A_81 = arith.constant 2.400000e+02 : f32
      %sub3A_82 = vector.broadcast %sub3A_81 : f32 to vector<512x1xf32>
      %sub3A_83 = arith.subf %broadcast_in_dim3A_80, %sub3A_82 : vector<512x1xf32>
      %div3A = arith.constant 1.000000e+00 : f32
      %div3A_84 = vector.broadcast %div3A : f32 to vector<512x1xf32>
      %div3A_85 = arith.divf %div3A_84, %sub3A_69 : vector<512x1xf32>
      %swap3A = arith.constant 0 : index
      %swap3A_86 = arith.constant 0 : index
      %swap3A_87 = vector.load %arg13[%swap3A, %swap3A_86] : memref<512x8xf32, #tpu.memory_space<vmem>>, vector<512x1xf32>
      tpu.vector_store %arg13[%swap3A, %swap3A_86], %div3A_85 {strides = array<i32>} : memref<512x8xf32, #tpu.memory_space<vmem>>, vector<512x1xf32>,
      %get3A_88 = arith.constant 0 : index
      %get3A_89 = arith.constant 3 : index
      %get3A_90 = vector.load %arg13[%get3A_88, %get3A_89] : memref<512x8xf32, #tpu.memory_space<vmem>>, vector<512x1xf32>
      %mul3A_91 = arith.mulf %sub3A_69, %sub3A_76 : vector<512x1xf32>
      %div3A_92 = arith.divf %get3A_90, %mul3A_91 : vector<512x1xf32>
      %swap3A_93 = arith.constant 0 : index
      %swap3A_94 = arith.constant 1 : index
      %swap3A_95 = vector.load %arg13[%swap3A_93, %swap3A_94] : memref<512x8xf32, #tpu.memory_space<vmem>>, vector<512x1xf32>
      tpu.vector_store %arg13[%swap3A_93, %swap3A_94], %div3A_92 {strides = array<i32>} : memref<512x8xf32, #tpu.memory_space<vmem>>, vector<512x1xf32>,
      %get3A_96 = arith.constant 0 : index
      %get3A_97 = arith.constant 4 : index
      %get3A_98 = vector.load %arg13[%get3A_96, %get3A_97] : memref<512x8xf32, #tpu.memory_space<vmem>>, vector<512x1xf32>
      %mul3A_99 = arith.mulf %sub3A_69, %sub3A_83 : vector<512x1xf32>
      %div3A_100 = arith.divf %get3A_98, %mul3A_99 : vector<512x1xf32>
      %swap3A_101 = arith.constant 0 : index
      %swap3A_102 = arith.constant 2 : index
      %swap3A_103 = vector.load %arg13[%swap3A_101, %swap3A_102] : memref<512x8xf32, #tpu.memory_space<vmem>>, vector<512x1xf32>
      tpu.vector_store %arg13[%swap3A_101, %swap3A_102], %div3A_100 {strides = array<i32>} : memref<512x8xf32, #tpu.memory_space<vmem>>, vector<512x1xf32>,
    } else {
    }
    %sub3A = arith.constant 40 : i32
    %sub3A_35 = arith.subi %arg1, %sub3A : i32
    %mul3A = arith.constant 1024 : i32
    %mul3A_36 = arith.muli %sub3A_35, %mul3A : i32
    %ge3A_37 = arith.constant 40 : i32
    %ge3A_38 = arith.cmpi sge, %arg1, %ge3A_37 : i32
    %lt3A_39 = arith.constant 19 : i32
    %lt3A_40 = arith.cmpi slt, %sub3A_35, %lt3A_39 : i32
    %and3A_41 = arith.andi %ge3A_38, %lt3A_40 : i1
    %convert_element_type3A_42 = arith.extui %and3A_41 : i1 to i32
    %cond3A_43 = arith.constant 0 : i32
    %cond3A_44 = arith.cmpi ne, %convert_element_type3A_42, %cond3A_43 : i32
    scf.if %cond3A_44 {
      %get3A = arith.constant 0 : index
      %get3A_64 = arith.index_cast %mul3A_36 : i32 to index
      %get3A_65 = vector.load %arg9[%get3A, %get3A_64] : memref<512x41728xbf16, #tpu.memory_space<vmem>>, vector<512x1024xbf16>
      %get3A_66 = arith.constant 0 : index
      %get3A_67 = arith.constant 0 : index
      %get3A_68 = vector.load %arg13[%get3A_66, %get3A_67] : memref<512x8xf32, #tpu.memory_space<vmem>>, vector<512x1xf32>
      %convert_element_type3A_69 = arith.extf %get3A_65 : vector<512x1024xbf16> to vector<512x1024xf32>
      %mul3A_70 = vector.broadcast %get3A_68 : vector<512x1xf32> to vector<512x1024xf32>
      %mul3A_71 = arith.mulf %convert_element_type3A_69, %mul3A_70 : vector<512x1024xf32>
      %swap3A = arith.constant 0 : index
      %swap3A_72 = arith.constant 0 : index
      %swap3A_73 = vector.load %arg8[%swap3A, %swap3A_72] : memref<512x1024xf32, #tpu.memory_space<vmem>>, vector<512x1024xf32>
      tpu.vector_store %arg8[%swap3A, %swap3A_72], %mul3A_71 {strides = array<i32>} : memref<512x1024xf32, #tpu.memory_space<vmem>>, vector<512x1024xf32>,
    } else {
    }
    %gt3A = arith.constant 19 : i32
    %gt3A_45 = arith.cmpi sgt, %sub3A_35, %gt3A : i32
    %lt3A_46 = arith.constant 29 : i32
    %lt3A_47 = arith.cmpi slt, %sub3A_35, %lt3A_46 : i32
    %and3A_48 = arith.andi %gt3A_45, %lt3A_47 : i1
    %convert_element_type3A_49 = arith.extui %and3A_48 : i1 to i32
    %cond3A_50 = arith.constant 0 : i32
    %cond3A_51 = arith.cmpi ne, %convert_element_type3A_49, %cond3A_50 : i32
    scf.if %cond3A_51 {
      %add3A = arith.constant 384 : i32
      %add3A_64 = arith.addi %mul3A_36, %add3A : i32
      %get3A = arith.constant 0 : index
      %get3A_65 = arith.index_cast %add3A_64 : i32 to index
      %get3A_66 = vector.load %arg9[%get3A, %get3A_65] : memref<512x41728xbf16, #tpu.memory_space<vmem>>, vector<512x1152xbf16>
      %slice3A = vector.extract_strided_slice %get3A_66 {offsets = [0, 96], sizes = [512, 1024], strides = [1, 1]} : vector<512x1152xbf16> to vector<512x1024xbf16>
      %get3A_67 = arith.constant 0 : index
      %get3A_68 = arith.constant 1 : index
      %get3A_69 = vector.load %arg13[%get3A_67, %get3A_68] : memref<512x8xf32, #tpu.memory_space<vmem>>, vector<512x1xf32>
      %convert_element_type3A_70 = arith.extf %slice3A : vector<512x1024xbf16> to vector<512x1024xf32>
      %mul3A_71 = vector.broadcast %get3A_69 : vector<512x1xf32> to vector<512x1024xf32>
      %mul3A_72 = arith.mulf %convert_element_type3A_70, %mul3A_71 : vector<512x1024xf32>
      %swap3A = arith.constant 0 : index
      %swap3A_73 = arith.constant 0 : index
      %swap3A_74 = vector.load %arg8[%swap3A, %swap3A_73] : memref<512x1024xf32, #tpu.memory_space<vmem>>, vector<512x1024xf32>
      tpu.vector_store %arg8[%swap3A, %swap3A_73], %mul3A_72 {strides = array<i32>} : memref<512x1024xf32, #tpu.memory_space<vmem>>, vector<512x1024xf32>,
    } else {
    }
    %gt3A_52 = arith.constant 29 : i32
    %gt3A_53 = arith.cmpi sgt, %sub3A_35, %gt3A_52 : i32
    %convert_element_type3A_54 = arith.extui %gt3A_53 : i1 to i32
    %cond3A_55 = arith.constant 0 : i32
    %cond3A_56 = arith.cmpi ne, %convert_element_type3A_54, %cond3A_55 : i32
    scf.if %cond3A_56 {
      %add3A = arith.constant 640 : i32
      %add3A_64 = arith.addi %mul3A_36, %add3A : i32
      %get3A = arith.constant 0 : index
      %get3A_65 = arith.index_cast %add3A_64 : i32 to index
      %get3A_66 = vector.load %arg9[%get3A, %get3A_65] : memref<512x41728xbf16, #tpu.memory_space<vmem>>, vector<512x1152xbf16>
      %slice3A = vector.extract_strided_slice %get3A_66 {offsets = [0, 80], sizes = [512, 1024], strides = [1, 1]} : vector<512x1152xbf16> to vector<512x1024xbf16>
      %get3A_67 = arith.constant 0 : index
      %get3A_68 = arith.constant 2 : index
      %get3A_69 = vector.load %arg13[%get3A_67, %get3A_68] : memref<512x8xf32, #tpu.memory_space<vmem>>, vector<512x1xf32>
      %convert_element_type3A_70 = arith.extf %slice3A : vector<512x1024xbf16> to vector<512x1024xf32>
      %mul3A_71 = vector.broadcast %get3A_69 : vector<512x1xf32> to vector<512x1024xf32>
      %mul3A_72 = arith.mulf %convert_element_type3A_70, %mul3A_71 : vector<512x1024xf32>
      %swap3A = arith.constant 0 : index
      %swap3A_73 = arith.constant 0 : index
      %swap3A_74 = vector.load %arg8[%swap3A, %swap3A_73] : memref<512x1024xf32, #tpu.memory_space<vmem>>, vector<512x1024xf32>
      tpu.vector_store %arg8[%swap3A, %swap3A_73], %mul3A_72 {strides = array<i32>} : memref<512x1024xf32, #tpu.memory_space<vmem>>, vector<512x1024xf32>,
    } else {
    }
    %eq3A_57 = arith.constant 19 : i32
    %eq3A_58 = arith.cmpi eq, %sub3A_35, %eq3A_57 : i32
    %eq3A_59 = arith.constant 29 : i32
    %eq3A_60 = arith.cmpi eq, %sub3A_35, %eq3A_59 : i32
    %or3A = arith.ori %eq3A_58, %eq3A_60 : i1
    %convert_element_type3A_61 = arith.extui %or3A : i1 to i32
    %cond3A_62 = arith.constant 0 : i32
    %cond3A_63 = arith.cmpi ne, %convert_element_type3A_61, %cond3A_62 : i32
    scf.if %cond3A_63 {
      %iota3A = tpu.iota {dimensions = array<i32: 1>} : vector<512x1024xi32>
      %add3A = vector.broadcast %mul3A_36 : i32 to vector<512x1024xi32>
      %add3A_64 = arith.addi %iota3A, %add3A : vector<512x1024xi32>
      %get3A = arith.constant 0 : index
      %get3A_65 = arith.index_cast %mul3A_36 : i32 to index
      %get3A_66 = vector.load %arg9[%get3A, %get3A_65] : memref<512x41728xbf16, #tpu.memory_space<vmem>>, vector<512x1024xbf16>
      %get3A_67 = arith.constant 0 : index
      %get3A_68 = arith.constant 0 : index
      %get3A_69 = vector.load %arg13[%get3A_67, %get3A_68] : memref<512x8xf32, #tpu.memory_space<vmem>>, vector<512x1xf32>
      %convert_element_type3A_70 = arith.extf %get3A_66 : vector<512x1024xbf16> to vector<512x1024xf32>
      %mul3A_71 = vector.broadcast %get3A_69 : vector<512x1xf32> to vector<512x1024xf32>
      %mul3A_72 = arith.mulf %convert_element_type3A_70, %mul3A_71 : vector<512x1024xf32>
      %add3A_73 = arith.constant 384 : i32
      %add3A_74 = arith.addi %mul3A_36, %add3A_73 : i32
      %get3A_75 = arith.constant 0 : index
      %get3A_76 = arith.index_cast %add3A_74 : i32 to index
      %get3A_77 = vector.load %arg9[%get3A_75, %get3A_76] : memref<512x41728xbf16, #tpu.memory_space<vmem>>, vector<512x1152xbf16>
      %slice3A = vector.extract_strided_slice %get3A_77 {offsets = [0, 96], sizes = [512, 1024], strides = [1, 1]} : vector<512x1152xbf16> to vector<512x1024xbf16>
      %get3A_78 = arith.constant 0 : index
      %get3A_79 = arith.constant 1 : index
      %get3A_80 = vector.load %arg13[%get3A_78, %get3A_79] : memref<512x8xf32, #tpu.memory_space<vmem>>, vector<512x1xf32>
      %convert_element_type3A_81 = arith.extf %slice3A : vector<512x1024xbf16> to vector<512x1024xf32>
      %mul3A_82 = vector.broadcast %get3A_80 : vector<512x1xf32> to vector<512x1024xf32>
      %mul3A_83 = arith.mulf %convert_element_type3A_81, %mul3A_82 : vector<512x1024xf32>
      %add3A_84 = arith.constant 640 : i32
      %add3A_85 = arith.addi %mul3A_36, %add3A_84 : i32
      %get3A_86 = arith.constant 0 : index
      %get3A_87 = arith.index_cast %add3A_85 : i32 to index
      %get3A_88 = vector.load %arg9[%get3A_86, %get3A_87] : memref<512x41728xbf16, #tpu.memory_space<vmem>>, vector<512x1152xbf16>
      %slice3A_89 = vector.extract_strided_slice %get3A_88 {offsets = [0, 80], sizes = [512, 1024], strides = [1, 1]} : vector<512x1152xbf16> to vector<512x1024xbf16>
      %get3A_90 = arith.constant 0 : index
      %get3A_91 = arith.constant 2 : index
      %get3A_92 = vector.load %arg13[%get3A_90, %get3A_91] : memref<512x8xf32, #tpu.memory_space<vmem>>, vector<512x1xf32>
      %convert_element_type3A_93 = arith.extf %slice3A_89 : vector<512x1024xbf16> to vector<512x1024xf32>
      %mul3A_94 = vector.broadcast %get3A_92 : vector<512x1xf32> to vector<512x1024xf32>
      %mul3A_95 = arith.mulf %convert_element_type3A_93, %mul3A_94 : vector<512x1024xf32>
      %lt3A_96 = arith.constant 20000 : i32
      %lt3A_97 = vector.broadcast %lt3A_96 : i32 to vector<512x1024xi32>
      %lt3A_98 = arith.cmpi slt, %add3A_64, %lt3A_97 : vector<512x1024xi32>
      %lt3A_99 = arith.constant 30000 : i32
      %lt3A_100 = vector.broadcast %lt3A_99 : i32 to vector<512x1024xi32>
      %lt3A_101 = arith.cmpi slt, %add3A_64, %lt3A_100 : vector<512x1024xi32>
      %select_n3A = arith.select %lt3A_101, %mul3A_83, %mul3A_95 : vector<512x1024xi1>, vector<512x1024xf32>
      %select_n3A_102 = arith.select %lt3A_98, %mul3A_72, %select_n3A : vector<512x1024xi1>, vector<512x1024xf32>
      %swap3A = arith.constant 0 : index
      %swap3A_103 = arith.constant 0 : index
      %swap3A_104 = vector.load %arg8[%swap3A, %swap3A_103] : memref<512x1024xf32, #tpu.memory_space<vmem>>, vector<512x1024xf32>
      tpu.vector_store %arg8[%swap3A, %swap3A_103], %select_n3A_102 {strides = array<i32>} : memref<512x1024xf32, #tpu.memory_space<vmem>>, vector<512x1024xf32>,
    } else {
    }
    return
  }
  func.func @transform_0(%arg0: i32, %arg1: i32) -> (i32, i32) {
    %c0_i32 = arith.constant 0 : i32
    %c0_i32_0 = arith.constant 0 : i32
    return %arg0, %c0_i32 : i32, i32
  }
  func.func @transform_1(%arg0: i32, %arg1: i32) -> (i32, i32) {
    %min3A = arith.constant 19 : i32
    %min3A_0 = arith.minsi %arg1, %min3A : i32
    %c0_i32 = arith.constant 0 : i32
    %c0_i32_1 = arith.constant 0 : i32
    return %c0_i32, %min3A_0 : i32, i32
  }
  func.func @transform_2(%arg0: i32, %arg1: i32) -> (i32, i32) {
    %c0_i32 = arith.constant 0 : i32
    %c0_i32_0 = arith.constant 0 : i32
    %c0_i32_1 = arith.constant 0 : i32
    return %c0_i32, %c0_i32_0 : i32, i32
  }
  func.func @transform_3(%arg0: i32, %arg1: i32) -> (i32, i32) {
    %sub3A = arith.constant 20 : i32
    %sub3A_0 = arith.subi %arg1, %sub3A : i32
    %jit3A = arith.constant 0 : i32
    %jit3A_1 = arith.constant 9 : i32
    %max3A = arith.maxsi %jit3A, %sub3A_0 : i32
    %min3A = arith.minsi %jit3A_1, %max3A : i32
    %c0_i32 = arith.constant 0 : i32
    %c0_i32_2 = arith.constant 0 : i32
    return %c0_i32, %min3A : i32, i32
  }
  func.func @transform_4(%arg0: i32, %arg1: i32) -> (i32, i32) {
    %c0_i32 = arith.constant 0 : i32
    %c0_i32_0 = arith.constant 0 : i32
    %c0_i32_1 = arith.constant 0 : i32
    return %c0_i32, %c0_i32_0 : i32, i32
  }
  func.func @transform_5(%arg0: i32, %arg1: i32) -> (i32, i32) {
    %sub3A = arith.constant 20 : i32
    %sub3A_0 = arith.subi %arg1, %sub3A : i32
    %sub3A_1 = arith.constant 10 : i32
    %sub3A_2 = arith.subi %sub3A_0, %sub3A_1 : i32
    %jit3A = arith.constant 0 : i32
    %jit3A_3 = arith.constant 9 : i32
    %max3A = arith.maxsi %jit3A, %sub3A_2 : i32
    %min3A = arith.minsi %jit3A_3, %max3A : i32
    %c0_i32 = arith.constant 0 : i32
    %c0_i32_4 = arith.constant 0 : i32
    return %c0_i32, %min3A : i32, i32
  }
  func.func @transform_6(%arg0: i32, %arg1: i32) -> (i32, i32) {
    %sub3A = arith.constant 40 : i32
    %sub3A_0 = arith.subi %arg1, %sub3A : i32
    %max3A = arith.constant 0 : i32
    %max3A_1 = arith.maxsi %sub3A_0, %max3A : i32
    %c0_i32 = arith.constant 0 : i32
    return %arg0, %max3A_1 : i32, i32
  }
}

</mosaic_0001>

<sc_bundles>
// kernel: sparse-core-data-format-call.1.cloned.1.call-start
scs
called_computation.1_lowered:
.L_overlay_start_0:
0x0: {  	s2 =	sld [smem:$0x3FD9]  }
0x1: {  	s3 =	sld [smem:$0x3FFE];
	_ =	sdelay $0x1  }
0x2: {  	s1 =	srdreg.scid  }
0x3: {  	s0 =	sand.u32 $0x1, s1  }
0x4: {  	s18 =	sshll.u32 s0, $0xA;
	s2 =	sadd.s32 s3, s2  }
0x5: {  	s2 =	sadd.s32 s2, s18  }
0x6: {  	[smem:$0x3FC2] =	sst s2  }
0x7: {  	_ = 	snop  }
0x8: {  	s2 =	sld [smem:$0x3FD0];
	(tm) =	ssettm $0x1  }
0x9: {  	s19 =	sld [smem:$0x3FFB];
	_ =	sdelay $0x3  }
0xa: {  	_ =	strace s19  }
0xb: {  	s3 =	sld [smem:$0x3FFC];
	_ =	sdelay $0x3  }
0xc: {  	_ =	strace s3  }
0xd: {  	s3 =	sld [smem:$0x3FFD];
	_ =	sdelay $0x3  }
0xe: {  	_ =	strace s3  }
0xf: {  	_ =	strace $0x8FFFFFFF  }
0x10: {  	s20 =	sld [smem:$0x3FDB];
	_ =	sdelay $0x1  }
0x11: {  	s4 =	simm.s32 $_scs_section_size  }
0x12: {  	s5 =	simm.s32 $_size__tile_overlayer_lowered;
	s6 =	simm.s32 $_tile_overlayer_lowered  }
0x13: {  	s23 =	simm.s32 $0x1BFF;
	s22 =	sshll.u32 s6, $0x1;
	s3 =	sadd.s32 s4, s20  }
0x14: {  	s7 =	simm.s32 $0x0;
	s21 =	sshll.u32 s5, $0x1;
	s5 =	sadd.s32 s22, s3  }
0x15: {  	[timem:s7], [sflag:s23] =	dma.local [hbm:s5], s21  }
0x16: {  	_ =	swait.ge [sflag:s23], s21  }
0x17: {  	s4 =	ssub.s32 $0x0, s21;
	[sflag:s23] =	ssyncset.done $0x0  }
0x18: {  	[sflag:s23] =	ssyncadd.s32 s4;
	_ =	sdelay $0x1  }
0x19: {  	s24 =	simm.s32 $0x1B8B  }
0x1a: {  	_ =	swait.ge [sflag:s24], $0x1  }
0x1b: {  	[sflag:s24] =	ssyncset.done $0x0  }
0x1c: {  	s26 =	simm.s32 $0x1B8E;
	s25 =	sld [smem:$0x3FFE];
	[sflag:s24] =	ssyncadd.s32 $0xFFFFFFFF  }
0x1d: {  	s27 =	simm.s32 $execute0_lowered;
	[smem:$0x3FD2] =	sst s26  }
0x1e: {  	s5 =	sshll.u32 s27, $0x1;
	_ =	strace $0x80000046;
	[dreg:$0x1] =	wrdreg $0xFFFFFFFF  }
0x1f: {  	s28 =	simm.s32 $_size_execute0_lowered;
	s3 =	sadd.s32 s3, s5;
	[dreg:$0x0] =	wrdreg $0x0  }
0x20: {  	s5 =	sshll.u32 s28, $0x1;
	[dreg:$0x2] =	wrdreg s3  }
0x21: {  	[dreg:$0x3] =	wrdreg s5  }
0x22: {  	[dreg:$0x4] =	wrdreg $0xC0  }
0x23: {  	_ =	task [dreg:s7], $0x5FFFF  }
0x24: {  	[dreg:$0x1] =	wrdreg $0xFFFFFFFF  }
0x25: {  	[dreg:$0x0] =	wrdreg $0x60  }
0x26: {  	[dreg:$0x2] =	wrdreg s2  }
0x27: {  	[dreg:$0x3] =	wrdreg s25  }
0x28: {  	[dreg:$0x4] =	wrdreg $0x9  }
0x29: {  	_ =	task.clear_ibuf [dreg:s7], $0x5FFFF;
	_ =	strace $0x90000046  }
0x2a: {  	s29 =	simm.s32 $0x9;
	_ =	strace $0x80000048  }
0x2b: {  	_ =	swait.ge [sflag:s29], $0x1  }
0x2c: {  	[sflag:s29] =	ssyncadd.s32 $0xFFFFFFFF  }
0x2d: {  	_ =	strace $0x90000048  }
0x2e: {  	_ =	sfence  }
0x2f: {  	s30 =	sld [smem:$0x0];
	_ =	sdelay $0x2  }
0x30: {  	s31 =	sshll.u32 s1, $0xD;
	s1 =	sshrl.u32 s1, $0x2  }
0x31: {  	s3 =	sand.u32 $0x4000, s31;
	s1 =	sadd.s32 s1, s30  }
0x32: {  	s0 =	sor.u32 s3, s0;
	s1 =	sshll.u32 s1, $0x11  }
0x33: {  	s0 =	sor.u32 s1, s0  }
0x34: {  	s0 =	sadd.s32 $0x8F2B, s0  }
0x35: {  	[sflag:s0] =	ssyncadd.remote.s32 $0x1  }
0x36: {  	_ =	sfence.sel $0xFFFF  }
0x37: {  	[dreg:$0x0] =	wrdreg $0xFFFFFFFF;
	(pc) =	sbr.abs _section_cstart, $3  }
0x38: {  	[dreg:$0x1] =	wrdreg $0xFFFFFFFF  }
0x39: {  	_ =	task.clear_ibuf [dreg:s7], $0x2FFFF;
	_ =	strace $0x9FFFFFFF  }
0x3a: {  	(tm) =	ssettm $0x7FFFFFFF  }
0x3b: {  	_ =	shalt  }
tec
execute0_lowered:
.L_overlay_start_1:
0x0: {  	(tag) =	ssettag $0x1  }
0x1: {  	s0 =	stileid.u32;
	s2 =	rddreg [dreg:$0x0]  }
0x2: {  	s1 =	srdreg.scid;
	s7 =	rddreg [dreg:$0x1]  }
0x3: {  	s31 =	simm.s32 $0x2;
	s3 =	sshll.u32 s0, $0x5;
	s1 =	sshll.u32 s1, $0x9  }
0x4: {  	s14 =	simm.s32 $0x0;
	s10 =	simm.s32 $0x13A00;
	s1 =	sor.u32 s3, s1  }
0x5: {  	s13 =	simm.s32 $0x0;
	s4 =	sshll.u32 s0, $0x7;
	s3 =	sand.u32 $0x300, s1  }
0x6: {  	s4 =	sand.u32 $0x380, s4;
	s1 =	rddreg [dreg:$0x2];
	s5 =	ssub.s32 $0x400, s3  }
0x7: {  	_ =	strace $0x80000047;
	s8 =	ssub.s32 $0x4E00, s4;
	s6 =	sand.u32 $0x300, s5  }
0x8: {  	s8 =	sshrl.u32 s8, $0xA;
	p0 =	sne.s32 s6, $0x0;
	s6 =	simm.s32 $0x1  }
.Ltmp0:
0x9: {  	s9 =	sshrl.u32 s5, $0xA;
	s6 =	simm.s32 @!p0 $0x0;
	(pc) =	sbr.rel .LBB1_1-.Ltmp0, $4  }
0xa: {  	s5 =	simm.s32 $0x1;
	s8 =	sadd.s32 $0x1, s8;
	s6 =	sadd.s32 s6, s9  }
0xb: {  	s12 =	simm.s32 $0x0;
	[sflag:s5] =	ssyncpa.u1 $0x0;
	s6 =	smul.u32 s8, s6  }
0xc: {  	s7 =	sadd.s32 $0x2200, s7;
	s11 =	smov.u32 s4;
	[sflag:s31] =	ssyncpa.u1 $0x0  }
0xd: {  	p0 =	por $0x0, $0x0;
	s8 =	sshll.u32 s3, $0x3;
	s9 =	sadd.s32 $0x1, s6  }
.LBB1_4:
0xe: {  	[tilespmem:s18+$0x1 ss:$0x81] =	vst.msk $0xffff, v11;
	v8 =	vcombine.high v8, v10;
	v6 =	vperm.xlane.i2c.b16 v6;
	v50 =	vld [tilespmem:s17+$0x230];
	s14 =	sshrl.u32 s14, $0x3  }
0xf: {  	[tilespmem:s18+$0x810 ss:$0x81] =	vst.msk $0xffff, v12;
	v51 =	vcombine.low v7, v9;
	v3 =	vperm.xlane.i2c.b16 v3;
	s16 =	sshll.u32 s13, $0x3;
	v52 =	vld [tilespmem:s17+$0x240];
	s14 =	smul.u32 $0x27400, s14  }
0x10: {  	v53 =	vcombine.high v7, v9;
	s29 =	sshll.u32 s13, $0x1;
	v54 =	vld [tilespmem:s17+$0x250];
	v0 =	vcombine.high v0, v1;
	s16 =	sand.u32 $0xFFFFFC00, s16;
	[tilespmem:s18+$0x811 ss:$0x81] =	vst.msk $0xffff, v8  }
0x11: {  	v5 =	vperm.xlane.i2c.b16 v5;
	v2 =	vperm.xlane.i2c.b16 v2;
	s13 =	sand.u32 $0xFE, s29;
	[tilespmem:s18+$0x1020 ss:$0x81] =	vst.msk $0xffff, v51;
	s14 =	sadd.s32 s16, s14  }
0x12: {  	v4 =	vperm.xlane.i2c.b16 v4;
	v55 =	vcombine.low v6, v3;
	[tilespmem:s15+$0x3061 ss:$0x81] =	vst.msk $0xffff, v0;
	s13 =	sor.u32 s13, s14  }
0x13: {  	v3 =	vcombine.high v6, v3;
	v56 =	vcombine.low v5, v2;
	[tilespmem:s18+$0x1021 ss:$0x81] =	vst.msk $0xffff, v53;
	s14 =	smulhi.u32 $0x342DA7F3, s13  }
0x14: {  	v2 =	vcombine.high v5, v2;
	[tilespmem:s18+$0x1830 ss:$0x81] =	vst.msk $0xffff, v55;
	v57 =	vperm.xlane.i2c.b16 v50  }
0x15: {  	[tilespmem:s18+$0x2040 ss:$0x81] =	vst.msk $0xffff, v56;
	v58 =	vperm.xlane.i2c.b16 v52;
	v60 =	vperm.xlane.i2c.b16 v54;
	s14 =	sshrl.u32 s14, $0xC  }
0x16: {  	[tilespmem:s18+$0x1831 ss:$0x81] =	vst.msk $0xffff, v3;
	v59 =	vcombine.low v4, v57;
	s30 =	smul.u32 $0x4E80, s14  }
0x17: {  	[tilespmem:s18+$0x2041 ss:$0x81] =	vst.msk $0xffff, v2;
	v62 =	vcombine.low v58, v60  }
0x18: {  	v61 =	vcombine.high v4, v57;
	s14 =	sand.u32 $0x3FF, s14;
	[tilespmem:s18+$0x2850 ss:$0x81] =	vst.msk $0xffff, v59;
	s13 =	ssub.s32 s13, s30  }
0x19: {  	v63 =	vcombine.high v58, v60;
	s14 =	smul.u32 $0x4E8, s14;
	[tilespmem:s18+$0x3060 ss:$0x81] =	vst.msk $0xffff, v62;
	s31 =	sshrl.u32 s13, $0x4;
	s13 =	sshll.u32 s13, $0x11  }
0x1a: {  	[tilespmem:s18+$0x2851 ss:$0x81] =	vst.msk $0xffff, v61;
	s15 =	sadd.s32 s7, s31;
	s13 =	sand.u32 $0x1C0000, s13  }
0x1b: {  	[tilespmem:s18+$0x3061 ss:$0x81] =	vst.msk $0xffff, v63;
	s14 =	sadd.s32 s14, s15;
	s13 =	sor.u32 $0x200, s13  }
0x1c: {  	[hbm4b:s14+s13] =	stream.strided.scatter [tilespmem:s20], [sflag:$0x2], $0x4000, s10, s13, $0x20;
	[tilespmem:$0x10100] =	vst v63  }
.LBB1_5:
0x1d: {  	s15 =	sadd.s32 $0x400, s11  }
0x1e: {  	p2 =	sgt.s32 s15, $0x4E21  }
0x1f: {  	s15 =	smov.u32 @p2 s4;
	p2 =	sne.s32 s12, s9  }
.Ltmp1:
0x20: {  	p1 =	slt.u32 s12, $0x2;
	(pc) =	sbr.rel @!p2 .LBB1_6-.Ltmp1, $4  }
0x21: {  	s14 =	simm.s32 @!p1 $0x2  }
0x22: {  	s16 =	sadd.s32 $0x1, s12;
	s13 =	smov.u32 s11;
	_ =	swait.ge @!p1 [sflag:s14], $0x4000  }
0x23: {  	p0 =	por !p0, !p0;
	s12 =	smov.u32 s16;
	[sflag:s14] =	ssyncset.done @!p1 $0x0  }
0x24: {  	s11 =	smov.u32 s15;
	[sflag:s14] =	ssyncadd.s32 @!p1 $0xFFFFC000;
	s14 =	smov.u32 s3  }
.LBB1_1:
0x25: {  	p1 =	sge.u32 s12, s6  }
0x26: {  	s15 =	sshll.u32 @!p1 s11, $0xA  }
0x27: {  	s15 =	sand.u32 @!p1 $0xFFFFE000, s15  }
0x28: {  	s16 =	smov.u32 s11;
	p2 =	sgt.s32 @!p1 s11, $0x4DA8;
	s15 =	sor.u32 @!p1 s8, s15  }
0x29: {  	s17 =	sshra.s32 @!p1 s11, $0x1F;
	p2 =	por !p2, p1;
	s15 =	sshrl.u32 @!p1 s15, $0xA  }
0x2a: {  	s17 =	sand.u32 @!p1 s17, s11;
	s16 =	simm.s32 @p2 $0x4DA8;
	s18 =	smulhi.u32 @!p1 $0x68D0D, s15  }
0x2b: {  	s16 =	ssub.s32 @!p1 s16, s17  }
0x2c: {  	s16 =	sadd.s32 @!p1 $0xFFFFB258, s16;
	s17 =	sshrl.u32 @!p1 s18, $0x1  }
0x2d: {  	s18 =	sshll.u32 @!p1 s16, $0x8;
	s17 =	smul.u32 @!p1 $0x4E28, s17  }
0x2e: {  	s31 =	sadd.s32 $0xFFFFFFFF, s12;
	s19 =	sxor.u32 @!p1 $0xFFFFFFFF, s12;
	s18 =	ssub.s32 @!p1 $0x8000, s18  }
0x2f: {  	s15 =	ssub.s32 @!p1 s15, s17;
	s17 =	sshrl.u32 @!p1 s18, $0x1;
	s18 =	sshll.u32 @!p1 s11, $0x3  }
0x30: {  	p2 =	sgt.s32 @!p1 s16, $0x7F;
	s16 =	sand.u32 @!p1 $0x3FFFFF80, s17;
	s17 =	sand.u32 @!p1 $0x30, s18  }
0x31: {  	p2 =	por !p2, p1;
	s15 =	sshll.u32 @!p1 s15, $0x6;
	s17 =	sadd.s32 @!p1 s2, s17  }
0x32: {  	s18 =	simm.s32 @!p1 $0x400;
	s15 =	sadd.s32 @!p1 s15, s17;
	s17 =	sshll.u32 @!p1 s19, $0xE  }
0x33: {  	s16 =	simm.s32 @!p2 $0x0;
	s19 =	simm.s32 @!p1 $0x1000;
	s17 =	sand.u32 @!p1 $0x4000, s17  }
0x34: {  	[tilespmem:s17], [sflag:$0x1] =	stream.strided.gather @!p1 [hbm4b:s15+s18], s16, s19, s18, $0x38;
	[tilespmem:$0x10100] =	vst v63  }
0x35: {  	p1 =	sge.u32 s31, s6  }
.Ltmp2:
0x36: {  	_ = 	snop;
	(pc) =	sbr.rel @p1 .LBB1_5-.Ltmp2, $1  }
0x37: {  	_ =	sdelay $0x3  }
0x38: {  	p1 =	sgt.s32 s13, $0x4DA8;
	s15 =	smov.u32 s13;
	s16 =	sshra.s32 s13, $0x1F  }
0x39: {  	s15 =	simm.s32 @!p1 $0x4DA8;
	s16 =	sand.u32 s16, s13  }
0x3a: {  	s15 =	ssub.s32 s15, s16  }
0x3b: {  	s15 =	sadd.s32 $0xFFFFB258, s15  }
0x3c: {  	s28 =	sshll.u32 s15, $0x8  }
0x3d: {  	s16 =	ssub.s32 $0x8000, s28  }
0x3e: {  	s16 =	sshrl.u32 s16, $0x1  }
0x3f: {  	s19 =	simm.s32 $0x0;
	p1 =	sgt.s32 s15, $0x7F;
	s15 =	sand.u32 $0x3FFFFF80, s16  }
0x40: {  	s18 =	sand.u32 $0x1, s12;
	s29 =	sand.u32 $0x3C00, s19;
	s15 =	simm.s32 @p1 $0x0  }
0x41: {  	s19 =	sand.u32 $0x180, s19;
	s16 =	sshll.u32 s18, $0xE;
	_ =	swait.ge [sflag:s5], s15  }
0x42: {  	s17 =	ssub.s32 $0x0, s15;
	s15 =	sadd.s32 s29, s16;
	[sflag:s5] =	ssyncset.done $0x0  }
0x43: {  	s20 =	sadd.s32 s19, s15;
	[sflag:s5] =	ssyncadd.s32 s17  }
0x44: {  	v0 =	vld [tilespmem:s20+$0x260]  }
0x45: {  	v1 =	vld [tilespmem:s20+$0x270]  }
0x46: {  	v2 =	vld [tilespmem:s20+$0x0]  }
0x47: {  	v3 =	vld [tilespmem:s20+$0x10]  }
0x48: {  	v4 =	vld [tilespmem:s20+$0x20]  }
0x49: {  	s15 =	simm.s32 $0x1;
	v5 =	vld [tilespmem:s20+$0x30]  }
0x4a: {  	s15 =	simm.s32 @!p0 $0x0;
	v6 =	vld [tilespmem:s20+$0x40]  }
0x4b: {  	s15 =	smul.u32 $0x10200, s15;
	v7 =	vld [tilespmem:s20+$0x50];
	v1 =	vperm.xlane.i2c.b16 v1;
	v0 =	vperm.xlane.i2c.b16 v0  }
0x4c: {  	v8 =	vld [tilespmem:s20+$0x60];
	v2 =	vperm.xlane.i2c.b16 v2;
	v3 =	vperm.xlane.i2c.b16 v3  }
0x4d: {  	v10 =	vld [tilespmem:s20+$0x70];
	s15 =	sshrl.u32 s15, $0x2;
	v9 =	vcombine.low v0, v1;
	v0 =	vcombine.high v0, v1  }
0x4e: {  	s15 =	sor.u32 $0x8000, s15;
	v1 =	vperm.xlane.i2c.b16 v5;
	v5 =	vld [tilespmem:s20+$0x200];
	v11 =	vcombine.low v2, v3  }
0x4f: {  	v4 =	vperm.xlane.i2c.b16 v4;
	v2 =	vcombine.high v2, v3;
	v3 =	vld [tilespmem:s20+$0x210];
	[tilespmem:s15+$0x3870 ss:$0x81] =	vst.msk $0xffff, v9  }
0x50: {  	s30 =	simm.s32 $0x100;
	v6 =	vperm.xlane.i2c.b16 v6;
	v7 =	vperm.xlane.i2c.b16 v7;
	v9 =	vld [tilespmem:s20+$0x220];
	[tilespmem:s15+$0x0 ss:$0x81] =	vst.msk $0xffff, v11  }
0x51: {  	s19 =	simm.s32 $0x80;
	s17 =	sand.u32 $0x3C00, s30;
	[tilespmem:s15+$0x3871 ss:$0x81] =	vst.msk $0xffff, v0;
	v0 =	vcombine.low v4, v1;
	v1 =	vcombine.high v4, v1;
	v4 =	vld [tilespmem:s20+$0x230]  }
0x52: {  	s21 =	sand.u32 $0x180, s19;
	s17 =	sadd.s32 s17, s16;
	[tilespmem:s15+$0x1 ss:$0x81] =	vst.msk $0xffff, v2;
	v2 =	vperm.xlane.i2c.b16 v8;
	v8 =	vperm.xlane.i2c.b16 v10;
	v10 =	vld [tilespmem:s20+$0x240]  }
0x53: {  	s17 =	sadd.s32 s21, s17;
	[tilespmem:s15+$0x810 ss:$0x81] =	vst.msk $0xffff, v0;
	v0 =	vcombine.low v6, v7;
	v6 =	vcombine.high v6, v7;
	v7 =	vld [tilespmem:s20+$0x250]  }
0x54: {  	v11 =	vcombine.low v2, v8;
	[tilespmem:s15+$0x811 ss:$0x81] =	vst.msk $0xffff, v1;
	v1 =	vperm.xlane.i2c.b16 v5;
	v5 =	vld [tilespmem:s17+$0x260]  }
0x55: {  	v2 =	vcombine.high v2, v8;
	[tilespmem:s15+$0x1020 ss:$0x81] =	vst.msk $0xffff, v0;
	v0 =	vperm.xlane.i2c.b16 v3;
	v3 =	vld [tilespmem:s17+$0x270]  }
0x56: {  	v8 =	vld [tilespmem:s17+$0x0];
	[tilespmem:s15+$0x1021 ss:$0x81] =	vst.msk $0xffff, v6;
	v6 =	vperm.xlane.i2c.b16 v9;
	v4 =	vperm.xlane.i2c.b16 v4  }
0x57: {  	[tilespmem:s15+$0x1830 ss:$0x81] =	vst.msk $0xffff, v11;
	v11 =	vld [tilespmem:s17+$0x10];
	v9 =	vcombine.low v1, v0;
	v12 =	vcombine.high v1, v0  }
0x58: {  	[tilespmem:s15+$0x1831 ss:$0x81] =	vst.msk $0xffff, v2;
	v2 =	vld [tilespmem:s17+$0x20];
	v0 =	vperm.xlane.i2c.b16 v10;
	v10 =	vcombine.low v6, v4  }
0x59: {  	v1 =	vperm.xlane.i2c.b16 v7;
	v7 =	vld [tilespmem:s17+$0x30];
	v4 =	vcombine.high v6, v4;
	[tilespmem:s15+$0x2040 ss:$0x81] =	vst.msk $0xffff, v9  }
0x5a: {  	v9 =	vld [tilespmem:s17+$0x40];
	v5 =	vperm.xlane.i2c.b16 v5;
	[tilespmem:s15+$0x2041 ss:$0x81] =	vst.msk $0xffff, v12;
	v12 =	vperm.xlane.i2c.b16 v3  }
0x5b: {  	v14 =	vld [tilespmem:s17+$0x50];
	v13 =	vperm.xlane.i2c.b16 v8;
	[tilespmem:s15+$0x2850 ss:$0x81] =	vst.msk $0xffff, v10;
	v10 =	vcombine.low v0, v1  }
0x5c: {  	v6 =	vld [tilespmem:s17+$0x60];
	[tilespmem:s15+$0x2851 ss:$0x81] =	vst.msk $0xffff, v4;
	v4 =	vperm.xlane.i2c.b16 v11;
	v11 =	vcombine.low v5, v12  }
0x5d: {  	s31 =	smul.u32 $0x10200, s18;
	s18 =	sadd.s32 $0x2, s15;
	v3 =	vld [tilespmem:s17+$0x70];
	v8 =	vperm.xlane.i2c.b16 v2;
	v12 =	vcombine.high v5, v12;
	[tilespmem:s15+$0x3060 ss:$0x81] =	vst.msk $0xffff, v10  }
0x5e: {  	v5 =	vld [tilespmem:s17+$0x200];
	v15 =	vcombine.low v13, v4;
	v10 =	vperm.xlane.i2c.b16 v7;
	[tilespmem:s18+$0x3870 ss:$0x81] =	vst.msk $0xffff, v11  }
0x5f: {  	s20 =	sshrl.u32 s31, $0x2;
	v2 =	vld [tilespmem:s17+$0x210];
	v11 =	vcombine.high v13, v4;
	v7 =	vperm.xlane.i2c.b16 v9;
	[tilespmem:s18+$0x3871 ss:$0x81] =	vst.msk $0xffff, v12  }
0x60: {  	s22 =	simm.s32 $0x200;
	s21 =	simm.s32 $0x2;
	s20 =	sor.u32 $0x8000, s20;
	v9 =	vperm.xlane.i2c.b16 v14;
	v4 =	vld [tilespmem:s17+$0x220];
	[tilespmem:s18+$0x0 ss:$0x81] =	vst.msk $0xffff, v15;
	v12 =	vcombine.low v8, v10  }
.LBB1_3:
0x61: {  	s23 =	sand.u32 $0x3C00, s22;
	[tilespmem:s18+$0x1 ss:$0x81] =	vst.msk $0xffff, v11;
	v8 =	vcombine.high v8, v10;
	v6 =	vperm.xlane.i2c.b16 v6;
	v10 =	vld [tilespmem:s17+$0x230];
	s19 =	sadd.s32 $0x80, s19  }
0x62: {  	v11 =	vcombine.low v7, v9;
	v3 =	vperm.xlane.i2c.b16 v3;
	s24 =	sand.u32 $0x180, s19;
	s23 =	sadd.s32 s23, s16;
	[tilespmem:s18+$0x810 ss:$0x81] =	vst.msk $0xffff, v12;
	v12 =	vld [tilespmem:s17+$0x240]  }
0x63: {  	s21 =	sadd.s32 $0x2, s21;
	v7 =	vcombine.high v7, v9;
	v5 =	vperm.xlane.i2c.b16 v5;
	[tilespmem:s18+$0x811 ss:$0x81] =	vst.msk $0xffff, v8;
	v8 =	vld [tilespmem:s17+$0x250];
	s17 =	sadd.s32 s24, s23  }
0x64: {  	v2 =	vperm.xlane.i2c.b16 v2;
	p1 =	slt.u32 s21, $0x7E;
	v9 =	vld [tilespmem:s17+$0x260];
	[tilespmem:s18+$0x1020 ss:$0x81] =	vst.msk $0xffff, v11;
	v11 =	vcombine.low v6, v3  }
0x65: {  	v4 =	vperm.xlane.i2c.b16 v4;
	v3 =	vcombine.high v6, v3;
	v13 =	vld [tilespmem:s17+$0x270];
	[tilespmem:s18+$0x1021 ss:$0x81] =	vst.msk $0xffff, v7  }
0x66: {  	v7 =	vcombine.low v5, v2;
	v6 =	vld [tilespmem:s17+$0x0];
	[tilespmem:s18+$0x1830 ss:$0x81] =	vst.msk $0xffff, v11;
	v10 =	vperm.xlane.i2c.b16 v10  }
0x67: {  	v2 =	vcombine.high v5, v2;
	v11 =	vld [tilespmem:s17+$0x10];
	[tilespmem:s18+$0x1831 ss:$0x81] =	vst.msk $0xffff, v3;
	v3 =	vperm.xlane.i2c.b16 v12  }
0x68: {  	v5 =	vld [tilespmem:s17+$0x20];
	[tilespmem:s18+$0x2040 ss:$0x81] =	vst.msk $0xffff, v7;
	v7 =	vcombine.low v4, v10;
	v8 =	vperm.xlane.i2c.b16 v8  }
0x69: {  	v12 =	vld [tilespmem:s17+$0x30];
	[tilespmem:s18+$0x2041 ss:$0x81] =	vst.msk $0xffff, v2;
	v2 =	vcombine.high v4, v10;
	v4 =	vcombine.high v0, v1;
	v0 =	vmov v3  }
0x6a: {  	v9 =	vperm.xlane.i2c.b16 v9;
	v14 =	vld [tilespmem:s17+$0x40];
	v10 =	vperm.xlane.i2c.b16 v13;
	[tilespmem:s18+$0x2850 ss:$0x81] =	vst.msk $0xffff, v7;
	v1 =	vmov v8  }
0x6b: {  	v7 =	vperm.xlane.i2c.b16 v6;
	v13 =	vld [tilespmem:s17+$0x50];
	[tilespmem:s18+$0x2851 ss:$0x81] =	vst.msk $0xffff, v2;
	v2 =	vcombine.low v0, v1  }
.Ltmp3:
0x6c: {  	v11 =	vperm.xlane.i2c.b16 v11;
	v6 =	vld [tilespmem:s17+$0x60];
	v15 =	vcombine.low v9, v10;
	[tilespmem:s15+$0x3061 ss:$0x81] =	vst.msk $0xffff, v4;
	s15 =	smov.u32 s18;
	(pc) =	sbr.rel @p1 .LBB1_3-.Ltmp3, $4  }
0x6d: {  	v4 =	vcombine.high v9, v10;
	s18 =	sadd.s32 $0x2, s18;
	v8 =	vperm.xlane.i2c.b16 v5;
	v3 =	vld [tilespmem:s17+$0x70];
	[tilespmem:s15+$0x3060 ss:$0x81] =	vst.msk $0xffff, v2  }
0x6e: {  	v9 =	vcombine.low v7, v11;
	v10 =	vperm.xlane.i2c.b16 v12;
	v5 =	vld [tilespmem:s17+$0x200];
	[tilespmem:s18+$0x3870 ss:$0x81] =	vst.msk $0xffff, v15  }
0x6f: {  	v11 =	vcombine.high v7, v11;
	v7 =	vperm.xlane.i2c.b16 v14;
	v2 =	vld [tilespmem:s17+$0x210];
	[tilespmem:s18+$0x3871 ss:$0x81] =	vst.msk $0xffff, v4  }
0x70: {  	s22 =	sadd.s32 $0x100, s22;
	[tilespmem:s18+$0x0 ss:$0x81] =	vst.msk $0xffff, v9;
	v12 =	vcombine.low v8, v10;
	v9 =	vperm.xlane.i2c.b16 v13;
	v4 =	vld [tilespmem:s17+$0x220]  }
.Ltmp4:
0x71: {  	_ = 	snop;
	(pc) =	sbr.rel .LBB1_4-.Ltmp4, $1  }
0x72: {  	_ =	sdelay $0x3  }
.LBB1_6:
0x73: {  	_ =	sfence.sel $0x180000  }
0x74: {  	s2 =	simm.s32 $0x1;
	[bflag:$0x0] =	sbarrier.arrive $0xFFFF  }
0x75: {  	s31 =	simm.s32 $0x2;
	[sflag:s2] =	ssyncpa.u1 $0x1  }
0x76: {  	[sflag:s31] =	ssyncpa.u1 $0x1  }
0x77: {  	p0 =	sne.s32 s0, $0x0;
	_ =	strace $0x90000047  }
0x78: {  	s0 =	sadd.s32 @!p0 $0x100000, s1;
	[bflag:$0x2] =	sbarrier.arrive $0xFFFF  }
0x79: {  	[sflag:s0] =	ssyncadd.tile.s32 @!p0 $0x1;
	_ =	shalt  }
.Lfunc_end1:
_tile_overlayer_lowered:
.L_overlay_start_2:
0x7a: {  	(tag) =	ssettag $0x2  }
0x7b: {  	s0 =	rddreg [dreg:$0x0];
	s2 =	stileid.u32  }
0x7c: {  	s1 =	rddreg [dreg:$0x1];
	p0 =	sne.s32 s2, $0x0  }
0x7d: {  	s3 =	rddreg [dreg:$0x2];
	[bflag:$0x3] =	sbarrier.arrive $0xFFFF;
	s2 =	simm.s32 @!p0 $0x1C01  }
0x7e: {  	[timem:s3], [sflag:s2] =	dma.local @!p0 [hbm:s0], s1  }
0x7f: {  	s0 =	simm.s32 @!p0 $0x1  }
0x80: {  	_ =	swait.ge @!p0 [sflag:s0], s1  }
0x81: {  	s1 =	ssub.s32 @!p0 $0x0, s1;
	[sflag:s0] =	ssyncset.done @!p0 $0x0  }
0x82: {  	[sflag:s0] =	ssyncadd.s32 @!p0 s1  }
0x83: {  	[bflag:$0x3] =	sbarrier.arrive $0xFFFF  }
0x84: {  	_ =	shalt  }

// kernel: sparse-core-data-format-call.cloned.1.call-start
scs
called_computation_lowered:
.L_overlay_start_0:
0x0: {  	s2 =	sld [smem:$0x3FD9]  }
0x1: {  	s3 =	sld [smem:$0x3FFE];
	_ =	sdelay $0x1  }
0x2: {  	s1 =	srdreg.scid  }
0x3: {  	s0 =	sand.u32 $0x1, s1  }
0x4: {  	s18 =	sshll.u32 s0, $0xA;
	s2 =	sadd.s32 s3, s2  }
0x5: {  	s2 =	sadd.s32 s2, s18  }
0x6: {  	[smem:$0x3FC2] =	sst s2  }
0x7: {  	_ = 	snop  }
0x8: {  	s2 =	sld [smem:$0x3FD0];
	(tm) =	ssettm $0x1  }
0x9: {  	s19 =	sld [smem:$0x3FFB];
	_ =	sdelay $0x3  }
0xa: {  	_ =	strace s19  }
0xb: {  	s3 =	sld [smem:$0x3FFC];
	_ =	sdelay $0x3  }
0xc: {  	_ =	strace s3  }
0xd: {  	s3 =	sld [smem:$0x3FFD];
	_ =	sdelay $0x3  }
0xe: {  	_ =	strace s3  }
0xf: {  	_ =	strace $0x8FFFFFFF  }
0x10: {  	s20 =	sld [smem:$0x3FDB];
	_ =	sdelay $0x1  }
0x11: {  	s4 =	simm.s32 $_scs_section_size  }
0x12: {  	s5 =	simm.s32 $_size__tile_overlayer_lowered;
	s6 =	simm.s32 $_tile_overlayer_lowered  }
0x13: {  	s23 =	simm.s32 $0x1BFF;
	s22 =	sshll.u32 s6, $0x1;
	s3 =	sadd.s32 s4, s20  }
0x14: {  	s7 =	simm.s32 $0x0;
	s21 =	sshll.u32 s5, $0x1;
	s5 =	sadd.s32 s22, s3  }
0x15: {  	[timem:s7], [sflag:s23] =	dma.local [hbm:s5], s21  }
0x16: {  	_ =	swait.ge [sflag:s23], s21  }
0x17: {  	s4 =	ssub.s32 $0x0, s21;
	[sflag:s23] =	ssyncset.done $0x0  }
0x18: {  	[sflag:s23] =	ssyncadd.s32 s4;
	_ =	sdelay $0x1  }
0x19: {  	s24 =	simm.s32 $0x1B8B  }
0x1a: {  	_ =	swait.ge [sflag:s24], $0x1  }
0x1b: {  	[sflag:s24] =	ssyncset.done $0x0  }
0x1c: {  	s26 =	simm.s32 $0x1B8E;
	s25 =	sld [smem:$0x3FFE];
	[sflag:s24] =	ssyncadd.s32 $0xFFFFFFFF  }
0x1d: {  	s27 =	simm.s32 $execute0_lowered;
	[smem:$0x3FD2] =	sst s26  }
0x1e: {  	s5 =	sshll.u32 s27, $0x1;
	_ =	strace $0x80000049;
	[dreg:$0x1] =	wrdreg $0xFFFFFFFF  }
0x1f: {  	s28 =	simm.s32 $_size_execute0_lowered;
	s3 =	sadd.s32 s3, s5;
	[dreg:$0x0] =	wrdreg $0x0  }
0x20: {  	s5 =	sshll.u32 s28, $0x1;
	[dreg:$0x2] =	wrdreg s3  }
0x21: {  	[dreg:$0x3] =	wrdreg s5  }
0x22: {  	[dreg:$0x4] =	wrdreg $0xC0  }
0x23: {  	_ =	task [dreg:s7], $0x5FFFF  }
0x24: {  	[dreg:$0x1] =	wrdreg $0xFFFFFFFF  }
0x25: {  	[dreg:$0x0] =	wrdreg $0x60  }
0x26: {  	[dreg:$0x2] =	wrdreg s25  }
0x27: {  	[dreg:$0x3] =	wrdreg s2  }
0x28: {  	[dreg:$0x4] =	wrdreg $0x9  }
0x29: {  	_ =	task.clear_ibuf [dreg:s7], $0x5FFFF;
	_ =	strace $0x90000049  }
0x2a: {  	s29 =	simm.s32 $0x9;
	_ =	strace $0x8000004B  }
0x2b: {  	_ =	swait.ge [sflag:s29], $0x1  }
0x2c: {  	[sflag:s29] =	ssyncadd.s32 $0xFFFFFFFF  }
0x2d: {  	_ =	strace $0x9000004B  }
0x2e: {  	_ =	sfence  }
0x2f: {  	s30 =	sld [smem:$0x0];
	_ =	sdelay $0x2  }
0x30: {  	s31 =	sshll.u32 s1, $0xD;
	s1 =	sshrl.u32 s1, $0x2  }
0x31: {  	s3 =	sand.u32 $0x4000, s31;
	s1 =	sadd.s32 s1, s30  }
0x32: {  	s0 =	sor.u32 s3, s0;
	s1 =	sshll.u32 s1, $0x11  }
0x33: {  	s0 =	sor.u32 s1, s0  }
0x34: {  	s0 =	sadd.s32 $0x8F2B, s0  }
0x35: {  	[sflag:s0] =	ssyncadd.remote.s32 $0x1  }
0x36: {  	_ =	sfence.sel $0xFFFF  }
0x37: {  	[dreg:$0x0] =	wrdreg $0xFFFFFFFF;
	(pc) =	sbr.abs _section_cstart, $3  }
0x38: {  	[dreg:$0x1] =	wrdreg $0xFFFFFFFF  }
0x39: {  	_ =	task.clear_ibuf [dreg:s7], $0x2FFFF;
	_ =	strace $0x9FFFFFFF  }
0x3a: {  	(tm) =	ssettm $0x7FFFFFFF  }
0x3b: {  	_ =	shalt  }
tec
execute0_lowered:
.L_overlay_start_1:
0x0: {  	(tag) =	ssettag $0x1  }
0x1: {  	s0 =	stileid.u32  }
0x2: {  	s2 =	srdreg.scid;
	s7 =	rddreg [dreg:$0x0]  }
0x3: {  	s3 =	rddreg [dreg:$0x1];
	s6 =	simm.s32 $0x1;
	s31 =	simm.s32 $0x2  }
0x4: {  	s16 =	simm.s32 $0x0;
	s9 =	simm.s32 $0x4000;
	s15 =	simm.s32 $0x0  }
0x5: {  	s10 =	simm.s32 $0x0;
	s11 =	simm.s32 $0x0;
	s1 =	sshll.u32 s0, $0x7  }
0x6: {  	s14 =	simm.s32 $0x0;
	s2 =	sshll.u32 s2, $0x7;
	s5 =	ssub.s32 $0x800, s1  }
0x7: {  	s7 =	sadd.s32 $0x194200, s7;
	s4 =	sand.u32 $0x80, s2;
	s29 =	sand.u32 $0x780, s5  }
0x8: {  	s30 =	ssub.s32 $0x9C00, s4;
	s5 =	sshrl.u32 s5, $0xB;
	p0 =	sne.s32 s29, $0x0  }
.Ltmp0:
0x9: {  	s8 =	sshrl.u32 s30, $0x8;
	s6 =	simm.s32 @!p0 $0x0;
	(pc) =	sbr.rel .LBB1_1-.Ltmp0, $4  }
0xa: {  	s2 =	rddreg [dreg:$0x2];
	s8 =	sadd.s32 $0x1, s8;
	s6 =	sadd.s32 s6, s5  }
0xb: {  	_ =	strace $0x8000004A;
	s5 =	simm.s32 $0x1;
	s6 =	smul.u32 s8, s6  }
0xc: {  	s13 =	smov.u32 s1;
	s12 =	smov.u32 s4;
	[sflag:s5] =	ssyncpa.u1 $0x0  }
0xd: {  	p0 =	por $0x0, $0x0;
	[sflag:s31] =	ssyncpa.u1 $0x0;
	s8 =	sadd.s32 $0x1, s6  }
.LBB1_4:
0xe: {  	s21 =	sshra.s32 s21, $0x2;
	s26 =	sshll.u32 s10, $0xB  }
0xf: {  	s22 =	sand.u32 $0x78, s11;
	s23 =	sshll.u32 s11, $0x3;
	s25 =	sshll.u32 s10, $0x7  }
0x10: {  	p1 =	sgt.s32 s10, $0x9BC0;
	s29 =	sshra.s32 s10, $0x1F;
	s20 =	sadd.s32 s21, s20  }
0x11: {  	s21 =	sand.u32 $0xFFFFC000, s26;
	s24 =	sand.u32 $0xFFFFFC00, s23;
	s23 =	sand.u32 $0x400, s23  }
0x12: {  	v5 =	vld [tilespmem:s18+$0xFFFFFFD0];
	[tilespmem:s19+$0x2040 ss:$0x81] =	vst.msk $0xffff, v4;
	s27 =	sand.u32 $0x380, s25;
	s30 =	sand.u32 s29, s10;
	s25 =	smov.u32 s11  }
0x13: {  	v58 =	vld [tilespmem:s18+$0xFFFFFFE0];
	[tilespmem:s19+$0x2850 ss:$0x81] =	vst.msk $0xffff, v3;
	s26 =	sshra.s32 s11, $0x1F;
	s21 =	sadd.s32 s24, s21;
	s22 =	sor.u32 s22, s23  }
0x14: {  	v59 =	vld [tilespmem:s18+$0xFFFFFFF0];
	[tilespmem:s19+$0x3060 ss:$0x81] =	vst.msk $0xffff, v2;
	s23 =	smov.u32 s10;
	s31 =	sand.u32 s26, s11;
	s22 =	sor.u32 s27, s22  }
0x15: {  	v60 =	vld [tilespmem:s18+$0x0];
	[tilespmem:s19+$0x0 ss:$0x81] =	vst.msk $0xffff, v1;
	s21 =	sshrl.u32 s21, $0xB;
	s23 =	simm.s32 @!p1 $0x9BC0;
	p1 =	sgt.s32 s11, $0x780  }
0x16: {  	v61 =	vld [tilespmem:s18+$0x10];
	[tilespmem:s20+$0x3870 ss:$0x81] =	vst.msk $0xffff, v0;
	s28 =	smulhi.u32 $0x1A36E3, s21;
	s19 =	ssub.s32 s23, s30;
	s25 =	simm.s32 @!p1 $0x780  }
0x17: {  	v62 =	vld [tilespmem:s18+$0x20];
	[tilespmem:s20+$0x810 ss:$0x81] =	vst.msk $0xffff, v5;
	s23 =	ssub.s32 s25, s31;
	s26 =	sadd.s32 $0xFFFF6440, s19;
	s19 =	ssub.s32 $0x9C40, s19  }
0x18: {  	v63 =	vld [tilespmem:s18+$0xFFFFFFC0];
	[tilespmem:s20+$0x1020 ss:$0x81] =	vst.msk $0xffff, v58;
	s24 =	sshrl.u32 s28, $0x4;
	p1 =	sgt.s32 s26, $0x7F;
	s28 =	sadd.s32 $0xFFFFF880, s23  }
0x19: {  	[tilespmem:s20+$0x1830 ss:$0x81] =	vst.msk $0xffff, v59;
	s23 =	ssub.s32 $0x800, s23;
	s27 =	smul.u32 $0x9C40, s24;
	p2 =	sgt.s32 s28, $0x7F  }
0x1a: {  	s29 =	sshrl.u32 s22, $0x3;
	[tilespmem:s20+$0x2040 ss:$0x81] =	vst.msk $0xffff, v60;
	s19 =	simm.s32 @p1 $0x0;
	s23 =	simm.s32 @p2 $0x0  }
0x1b: {  	s30 =	sand.u32 $0x7, s11;
	[tilespmem:s20+$0x2850 ss:$0x81] =	vst.msk $0xffff, v61;
	s18 =	ssub.s32 s21, s27;
	s19 =	smul.u32 s23, s19  }
0x1c: {  	[tilespmem:s20+$0x3060 ss:$0x81] =	vst.msk $0xffff, v62;
	s22 =	sshll.u32 s30, $0x12;
	s21 =	sadd.s32 s3, s29;
	s18 =	sshll.u32 s18, $0x8  }
0x1d: {  	[tilespmem:s20+$0x0 ss:$0x81] =	vst.msk $0xffff, v63;
	s31 =	sor.u32 $0x400, s22;
	s19 =	sand.u32 $0x3FFFFFFF, s19;
	s18 =	sadd.s32 s18, s21  }
0x1e: {  	[hbm4b:s18+s31] =	stream.strided.scatter [tilespmem:s17], [sflag:$0x2], s19, s9, s31, $0x20;
	[tilespmem:$0x10100] =	vst v63  }
.LBB1_5:
0x1f: {  	p1 =	slt.u32 s14, $0x2  }
0x20: {  	s18 =	smov.u32 s16;
	p2 =	sgt.s32 @!p1 s16, $0x9BC0;
	s17 =	sshra.s32 @!p1 s16, $0x1F  }
0x21: {  	p3 =	sgt.s32 @!p1 s15, $0x780;
	s19 =	sshra.s32 @!p1 s15, $0x1F;
	p2 =	por !p2, p1  }
0x22: {  	s16 =	sand.u32 @!p1 s17, s16;
	p3 =	por !p3, p1;
	s17 =	smov.u32 s15  }
0x23: {  	s15 =	sand.u32 @!p1 s19, s15;
	s18 =	simm.s32 @p2 $0x9BC0;
	s17 =	simm.s32 @p3 $0x780  }
0x24: {  	s16 =	ssub.s32 @!p1 s18, s16;
	s15 =	ssub.s32 @!p1 s17, s15  }
0x25: {  	s19 =	smov.u32 s13;
	s17 =	sadd.s32 @!p1 $0xFFFF6440, s16;
	s18 =	sadd.s32 @!p1 $0xFFFFF880, s15  }
0x26: {  	s16 =	ssub.s32 @!p1 $0x9C40, s16;
	p2 =	sgt.s32 @!p1 s17, $0x7F;
	p3 =	sgt.s32 @!p1 s18, $0x7F  }
0x27: {  	s15 =	ssub.s32 @!p1 $0x800, s15;
	p2 =	por !p2, p1;
	p3 =	por !p3, p1  }
0x28: {  	s17 =	sadd.s32 $0x100, s12;
	s16 =	simm.s32 @!p2 $0x0;
	s15 =	simm.s32 @!p3 $0x0  }
0x29: {  	p2 =	sgt.s32 s17, $0x9C3F;
	s15 =	smul.u32 @!p1 s15, s16;
	s16 =	sadd.s32 $0x800, s13  }
0x2a: {  	s19 =	smov.u32 @p2 s16  }
0x2b: {  	s17 =	smov.u32 @p2 s4;
	p2 =	sgt.s32 s19, $0x7FF  }
0x2c: {  	s19 =	smov.u32 @p2 s1;
	p2 =	sne.s32 s14, s8  }
.Ltmp1:
0x2d: {  	p0 =	por !p0, !p0;
	s18 =	simm.s32 @!p1 $0x2;
	(pc) =	sbr.rel @!p2 .LBB1_6-.Ltmp1, $4  }
0x2e: {  	s16 =	smov.u32 s10;
	s10 =	smov.u32 s12;
	s15 =	sand.u32 @!p1 $0x3FFFFFFF, s15  }
0x2f: {  	s12 =	smov.u32 s17;
	_ =	swait.ge @!p1 [sflag:s18], s15;
	s20 =	ssub.s32 @!p1 $0x0, s15  }
0x30: {  	s15 =	smov.u32 s11;
	s14 =	sadd.s32 $0x1, s14;
	[sflag:s18] =	ssyncset.done @!p1 $0x0  }
0x31: {  	s11 =	smov.u32 s13;
	s13 =	smov.u32 s19;
	[sflag:s18] =	ssyncadd.s32 @!p1 s20  }
.LBB1_1:
0x32: {  	p1 =	sge.u32 s14, s6  }
0x33: {  	s17 =	sshrl.u32 @!p1 s13, $0x3  }
0x34: {  	s18 =	sshll.u32 @!p1 s12, $0x3;
	s17 =	smul.u32 @!p1 $0x4E400, s17  }
0x35: {  	s19 =	sshll.u32 @!p1 s13, $0x7;
	s18 =	sand.u32 @!p1 $0xFFFFFC00, s18  }
0x36: {  	s17 =	sadd.s32 @!p1 s17, s18;
	s18 =	sand.u32 @!p1 $0x380, s19  }
0x37: {  	s17 =	sor.u32 @!p1 s18, s17  }
0x38: {  	s18 =	sshrl.u32 @!p1 s17, $0x7  }
0x39: {  	s18 =	smulhi.u32 @!p1 $0x1A2C2A9, s18;
	_ =	sdelay $0x1  }
0x3a: {  	s18 =	sshrl.u32 @!p1 s18, $0x1  }
0x3b: {  	s19 =	sand.u32 @!p1 $0x7F, s12;
	s20 =	smul.u32 @!p1 $0x9C80, s18  }
0x3c: {  	s31 =	sadd.s32 $0xFFFFFFFF, s14;
	s17 =	sor.u32 @!p1 s19, s17;
	s19 =	sxor.u32 @!p1 $0xFFFFFFFF, s14  }
0x3d: {  	s19 =	sshll.u32 @!p1 s19, $0xE;
	s18 =	sand.u32 @!p1 $0x7FF, s18;
	s17 =	ssub.s32 @!p1 s17, s20  }
0x3e: {  	s18 =	smul.u32 @!p1 $0x1390, s18;
	s20 =	sshrl.u32 @!p1 s17, $0x3;
	s17 =	sand.u32 @!p1 $0x7, s17  }
0x3f: {  	s19 =	sand.u32 @!p1 $0x4000, s19;
	s20 =	sadd.s32 @!p1 s7, s20;
	s17 =	sshll.u32 @!p1 s17, $0x12  }
0x40: {  	s18 =	sadd.s32 @!p1 s18, s20;
	s17 =	sor.u32 @!p1 $0x400, s17;
	s20 =	simm.s32 @!p1 $0x4E400  }
0x41: {  	[tilespmem:s19], [sflag:$0x1] =	stream.strided.gather @!p1 [hbm4b:s18+s17], $0x4000, s20, s17, $0x38;
	[tilespmem:$0x10100] =	vst v63  }
0x42: {  	p1 =	sge.u32 s31, s6  }
.Ltmp2:
0x43: {  	_ = 	snop;
	(pc) =	sbr.rel @p1 .LBB1_5-.Ltmp2, $1  }
0x44: {  	_ =	sdelay $0x3  }
0x45: {  	s17 =	simm.s32 $0x1  }
0x46: {  	_ =	swait.ge [sflag:s5], $0x4000;
	s17 =	simm.s32 @!p0 $0x0  }
0x47: {  	[sflag:s5] =	ssyncset.done $0x0;
	s18 =	sshll.u32 s17, $0xE  }
0x48: {  	[sflag:s5] =	ssyncadd.s32 $0xFFFFC000;
	s18 =	sor.u32 $0x40, s18  }
0x49: {  	s17 =	smul.u32 $0x10200, s17;
	v0 =	vld [tilespmem:s18+$0x30]  }
0x4a: {  	v1 =	vld [tilespmem:s18+$0xFFFFFFD0]  }
0x4b: {  	s17 =	sshrl.u32 s17, $0x2;
	v5 =	vld [tilespmem:s18+$0xFFFFFFE0]  }
0x4c: {  	v6 =	vld [tilespmem:s18+$0xFFFFFFF0];
	s20 =	sor.u32 $0x8000, s17  }
0x4d: {  	s31 =	sand.u32 $0x1, s14;
	v4 =	vld [tilespmem:s18+$0x0];
	s19 =	sadd.s32 $0x0, s20  }
0x4e: {  	v3 =	vld [tilespmem:s18+$0x10];
	s17 =	smul.u32 $0x10200, s31;
	[tilespmem:s19+$0x3870 ss:$0x81] =	vst.msk $0xffff, v0  }
0x4f: {  	v2 =	vld [tilespmem:s18+$0x20];
	[tilespmem:s19+$0x810 ss:$0x81] =	vst.msk $0xffff, v1  }
0x50: {  	s17 =	sshrl.u32 s17, $0x2;
	v1 =	vld [tilespmem:s18+$0xFFFFFFC0];
	[tilespmem:s19+$0x1020 ss:$0x81] =	vst.msk $0xffff, v5;
	s18 =	sadd.s32 $0x80, s18  }
0x51: {  	s21 =	simm.s32 $0x4;
	s22 =	simm.s32 $0x8;
	s17 =	sor.u32 $0x8000, s17;
	[tilespmem:s19+$0x1830 ss:$0x81] =	vst.msk $0xffff, v6;
	v0 =	vld [tilespmem:s18+$0x30]  }
.LBB1_3:
0x52: {  	p1 =	sne.s32 s22, $0x1FC;
	v5 =	vld [tilespmem:s18+$0xFFFFFFD0];
	[tilespmem:s19+$0x2040 ss:$0x81] =	vst.msk $0xffff, v4  }
0x53: {  	v6 =	vld [tilespmem:s18+$0xFFFFFFE0];
	[tilespmem:s19+$0x2850 ss:$0x81] =	vst.msk $0xffff, v3  }
0x54: {  	s23 =	sshra.s32 s21, $0x2;
	s21 =	smov.u32 s22;
	v7 =	vld [tilespmem:s18+$0xFFFFFFF0];
	[tilespmem:s19+$0x3060 ss:$0x81] =	vst.msk $0xffff, v2  }
.Ltmp3:
0x55: {  	v4 =	vld [tilespmem:s18+$0x0];
	[tilespmem:s19+$0x0 ss:$0x81] =	vst.msk $0xffff, v1;
	s19 =	sadd.s32 s23, s20;
	(pc) =	sbr.rel @p1 .LBB1_3-.Ltmp3, $4  }
0x56: {  	v3 =	vld [tilespmem:s18+$0x10];
	[tilespmem:s19+$0x3870 ss:$0x81] =	vst.msk $0xffff, v0  }
0x57: {  	[tilespmem:s19+$0x810 ss:$0x81] =	vst.msk $0xffff, v5;
	v2 =	vld [tilespmem:s18+$0x20]  }
0x58: {  	v1 =	vld [tilespmem:s18+$0xFFFFFFC0];
	[tilespmem:s19+$0x1020 ss:$0x81] =	vst.msk $0xffff, v6;
	s18 =	sadd.s32 $0x80, s18  }
0x59: {  	s22 =	sadd.s32 $0x4, s22;
	v0 =	vld [tilespmem:s18+$0x30];
	[tilespmem:s19+$0x1830 ss:$0x81] =	vst.msk $0xffff, v7  }
.Ltmp4:
0x5a: {  	_ = 	snop;
	(pc) =	sbr.rel .LBB1_4-.Ltmp4, $1  }
0x5b: {  	_ =	sdelay $0x3  }
.LBB1_6:
0x5c: {  	_ =	sfence.sel $0x180000  }
0x5d: {  	s1 =	simm.s32 $0x1;
	[bflag:$0x0] =	sbarrier.arrive $0xFFFF  }
0x5e: {  	s31 =	simm.s32 $0x2;
	[sflag:s1] =	ssyncpa.u1 $0x1  }
0x5f: {  	[sflag:s31] =	ssyncpa.u1 $0x1  }
0x60: {  	p0 =	sne.s32 s0, $0x0;
	_ =	strace $0x9000004A  }
0x61: {  	s0 =	sadd.s32 @!p0 $0x100000, s2;
	[bflag:$0x2] =	sbarrier.arrive $0xFFFF  }
0x62: {  	[sflag:s0] =	ssyncadd.tile.s32 @!p0 $0x1;
	_ =	shalt  }
.Lfunc_end1:
_tile_overlayer_lowered:
.L_overlay_start_2:
0x63: {  	(tag) =	ssettag $0x2  }
0x64: {  	s0 =	rddreg [dreg:$0x0];
	s2 =	stileid.u32  }
0x65: {  	s1 =	rddreg [dreg:$0x1];
	p0 =	sne.s32 s2, $0x0  }
0x66: {  	s3 =	rddreg [dreg:$0x2];
	[bflag:$0x3] =	sbarrier.arrive $0xFFFF;
	s2 =	simm.s32 @!p0 $0x1C01  }
0x67: {  	[timem:s3], [sflag:s2] =	dma.local @!p0 [hbm:s0], s1  }
0x68: {  	s0 =	simm.s32 @!p0 $0x1  }
0x69: {  	_ =	swait.ge @!p0 [sflag:s0], s1  }
0x6a: {  	s1 =	ssub.s32 @!p0 $0x0, s1;
	[sflag:s0] =	ssyncset.done @!p0 $0x0  }
0x6b: {  	[sflag:s0] =	ssyncadd.s32 @!p0 s1  }
0x6c: {  	[bflag:$0x3] =	sbarrier.arrive $0xFFFF  }
0x6d: {  	_ =	shalt  }

</sc_bundles>
